<compile_context>
chip_gen: v7x
topology: tpu7x:2x2x1
jax: 0.10.2.dev20260603
libtpu: 0.0.44.dev20260713+nightly
codegen_flags: <defaults>
</compile_context>

<pallas_src>
import jax
import jax.numpy as jnp
from jax import lax
from jax.experimental import pallas as pl
from jax.experimental.pallas import tpu as pltpu
from jax.experimental.pallas import tpu_sc as plsc

N = 10000
E = 160000
D = 256
H = 512
G = 64
NC = 2
NS = 16
EB = 128
NB = 80
E_PAD = NS * NB * EB
N_PAD = 10240
RPT = N_PAD // NS
NCH = 4
CW = 128
BR = 1280



def _deg_body(dst_hbm, ones_hbm, out_hbm, dst_v, ones_v, acc_sh):
    c = lax.axis_index("c")
    s = lax.axis_index("s")
    for i in range(EB // 16):
        ones_v[pl.ds(i * 16, 16)] = jnp.ones((16,), jnp.float32)
    off = pl.multiple_of(s * RPT, 128)
    pltpu.sync_copy(ones_hbm.at[pl.ds(off, RPT)], acc_sh.at[pl.ds(off, RPT)])
    pltpu.sync_copy(dst_hbm.at[s], dst_v)
    plsc.subcore_barrier()
    lo = c * (NB // 2)
    hi = lo + NB // 2

    def body(j, carry):
        pltpu.sync_copy(ones_v, acc_sh.at[dst_v.at[j]], add=True)
        return carry

    lax.fori_loop(lo, hi, body, 0)
    plsc.subcore_barrier()
    pltpu.sync_copy(acc_sh.at[pl.ds(off, RPT)],
                    out_hbm.at[c, 0, pl.ds(off, RPT)])


def _deg_call(dst_p, ones_init):
    mesh = plsc.VectorSubcoreMesh(core_axis_name="c", subcore_axis_name="s")
    return pl.kernel(
        _deg_body,
        out_type=jax.ShapeDtypeStruct((NC, 1, N_PAD), jnp.float32),
        mesh=mesh,
        scratch_types=[
            pltpu.VMEM((NB, EB), jnp.int32),
            pltpu.VMEM((EB,), jnp.float32),
            pltpu.VMEM_SHARED((N_PAD,), jnp.float32),
        ],
    )(dst_p, ones_init)


def _scatter_body(u_hbm, edp_hbm, out_hbm, idx_v, rows, sems, acc_sh):
    c = lax.axis_index("c")
    s = lax.axis_index("s")
    off = pl.multiple_of(s * RPT, 128)

    def chunk_loop(ci, carry):
        ch = 2 * c + ci
        rowoff = pl.multiple_of(ch * N_PAD, 128) + off
        pltpu.sync_copy(edp_hbm.at[ch, s], idx_v)
        src_v = idx_v.at[0]
        dst_v = idx_v.at[1]
        pltpu.sync_copy(u_hbm.at[pl.ds(rowoff, RPT)],
                        acc_sh.at[pl.ds(off, RPT)])
        plsc.subcore_barrier()

        def bat(j, carry):
            pltpu.async_copy(u_hbm.at[src_v.at[j]], rows[0], sems[0]).wait()
            pltpu.sync_copy(rows[0], acc_sh.at[dst_v.at[j]], add=True)
            return carry

        lax.fori_loop(0, NB, bat, 0)
        plsc.subcore_barrier()
        pltpu.sync_copy(acc_sh.at[pl.ds(off, RPT)],
                        out_hbm.at[pl.ds(rowoff, RPT)])
        plsc.subcore_barrier()
        return carry

    lax.fori_loop(0, NCH // NC, chunk_loop, 0)


def _make_sc_scatter():
    mesh = plsc.VectorSubcoreMesh(core_axis_name="c", subcore_axis_name="s")

    def body(u_hbm, edp_hbm, out_hbm, idx_v, r0, s0, s1, acc_sh):
        _scatter_body(u_hbm, edp_hbm, out_hbm, idx_v,
                      (r0,), (s0, s1), acc_sh)

    return pl.kernel(
        body,
        out_type=jax.ShapeDtypeStruct((NCH * N_PAD, CW), jnp.float32),
        mesh=mesh,
        scratch_types=[
            pltpu.VMEM((2, NB, EB), jnp.int32),
            pltpu.VMEM((EB, CW), jnp.float32),
            pltpu.SemaphoreType.DMA,
            pltpu.SemaphoreType.DMA,
            pltpu.VMEM_SHARED((N_PAD, CW), jnp.float32),
        ],
        name="sc_edge_scatter",
    )


_sc_scatter = _make_sc_scatter()



def _tc1_body(x_ref, degp_ref, w_ref, u_ref, dinv_ref):
    deg = degp_ref[0] + degp_ref[1] - 1.0
    dinv = lax.rsqrt(deg)
    dinv_ref[...] = dinv
    h = jnp.dot(x_ref[...], w_ref[...], preferred_element_type=jnp.float32)
    u = h * dinv
    for ci in range(NCH):
        u_ref[ci] = u[:, ci * CW:(ci + 1) * CW]


def _tc1(xp, degp3, W1):
    nb = N_PAD // BR
    return pl.pallas_call(
        _tc1_body,
        grid=(nb,),
        in_specs=[
            pl.BlockSpec((BR, D), lambda i: (i, 0)),
            pl.BlockSpec((NC, BR, 1), lambda i: (0, i, 0)),
            pl.BlockSpec((D, H), lambda i: (0, 0)),
        ],
        out_specs=[
            pl.BlockSpec((NCH, BR, CW), lambda i: (0, i, 0)),
            pl.BlockSpec((BR, 1), lambda i: (i, 0)),
        ],
        out_shape=[
            jax.ShapeDtypeStruct((NCH, N_PAD, CW), jnp.float32),
            jax.ShapeDtypeStruct((N_PAD, 1), jnp.float32),
        ],
    )(xp, degp3, W1)


def _tc2_body(a_ref, dinv_ref, b_ref, w_ref, u_ref):
    a = jnp.concatenate([a_ref[ci] for ci in range(NCH)], axis=1)
    z = jnp.maximum(a * dinv_ref[...] + b_ref[...], 0.0)
    u = jnp.dot(z, w_ref[...], preferred_element_type=jnp.float32) * dinv_ref[...]
    for ci in range(NCH):
        u_ref[ci] = u[:, ci * CW:(ci + 1) * CW]


def _tc2(a1, dinv, b1r, W2):
    nb = N_PAD // BR
    return pl.pallas_call(
        _tc2_body,
        grid=(nb,),
        in_specs=[
            pl.BlockSpec((NCH, BR, CW), lambda i: (0, i, 0)),
            pl.BlockSpec((BR, 1), lambda i: (i, 0)),
            pl.BlockSpec((1, H), lambda i: (0, 0)),
            pl.BlockSpec((H, H), lambda i: (0, 0)),
        ],
        out_specs=pl.BlockSpec((NCH, BR, CW), lambda i: (0, i, 0)),
        out_shape=jax.ShapeDtypeStruct((NCH, N_PAD, CW), jnp.float32),
    )(a1, dinv, b1r, W2)


def _tc3_body(a_ref, dinv_ref, b_ref, batch_ref, wout_ref, bout_ref, out_ref):
    i = pl.program_id(0)
    a = jnp.concatenate([a_ref[ci] for ci in range(NCH)], axis=1)
    z = jnp.maximum(a * dinv_ref[...] + b_ref[...], 0.0)
    y = jnp.dot(z, wout_ref[...], preferred_element_type=jnp.float32)
    gids = lax.broadcasted_iota(jnp.int32, (BR, G), 1)
    oh = (batch_ref[...] == gids).astype(jnp.float32)
    contrib = jnp.sum(oh * y, axis=0).reshape(G, 1)

    @pl.when(i == 0)
    def _():
        out_ref[...] = contrib + bout_ref[...]

    @pl.when(i > 0)
    def _():
        out_ref[...] += contrib


def _tc3(a2, dinv, b2r, batch_p, Wout, boutr):
    nb = N_PAD // BR
    return pl.pallas_call(
        _tc3_body,
        grid=(nb,),
        in_specs=[
            pl.BlockSpec((NCH, BR, CW), lambda i: (0, i, 0)),
            pl.BlockSpec((BR, 1), lambda i: (i, 0)),
            pl.BlockSpec((1, H), lambda i: (0, 0)),
            pl.BlockSpec((BR, 1), lambda i: (i, 0)),
            pl.BlockSpec((H, 1), lambda i: (0, 0)),
            pl.BlockSpec((1, 1), lambda i: (0, 0)),
        ],
        out_specs=pl.BlockSpec((G, 1), lambda i: (0, 0)),
        out_shape=jax.ShapeDtypeStruct((G, 1), jnp.float32),
    )(a2, dinv, b2r, batch_p, Wout, boutr)



def kernel(x, edge_index, batch, W1, b1, W2, b2, Wout, bout):
    src = edge_index[0].astype(jnp.int32)
    dst = edge_index[1].astype(jnp.int32)
    pad_e = E_PAD - E
    src_p = jnp.concatenate([src, jnp.zeros((pad_e,), jnp.int32)]).reshape(NS, NB, EB)
    dst_p = jnp.concatenate([dst, jnp.full((pad_e,), N, jnp.int32)]).reshape(NS, NB, EB)
    src_p4 = src_p[None] + (jnp.arange(NCH, dtype=jnp.int32) * N_PAD)[:, None, None, None]
    dst_p4 = jnp.broadcast_to(dst_p[None], (NCH, NS, NB, EB))
    edp = jnp.stack([src_p4, dst_p4], axis=2)
    ones_init = jnp.ones((N_PAD,), jnp.float32)
    xp = jnp.pad(x, ((0, N_PAD - N), (0, 0)))
    batch_p = jnp.concatenate(
        [batch.astype(jnp.int32), jnp.full((N_PAD - N,), G, jnp.int32)]
    ).reshape(N_PAD, 1)

    degp = _deg_call(dst_p, ones_init)
    degp3 = degp.reshape(NC, N_PAD, 1)

    u1, dinv = _tc1(xp, degp3, W1)
    a1 = _sc_scatter(u1.reshape(NCH * N_PAD, CW), edp)
    u2 = _tc2(a1.reshape(NCH, N_PAD, CW), dinv, b1.reshape(1, H), W2)
    a2 = _sc_scatter(u2.reshape(NCH * N_PAD, CW), edp)
    out = _tc3(a2.reshape(NCH, N_PAD, CW), dinv, b2.reshape(1, H),
               batch_p, Wout, bout.reshape(1, 1))
    return out

# --- scband reference (transcript-rebuilt; emitter-appended) ---
"""Pipeline reference for scband-simple-gnn-efg-66219805770296 (READ-ONLY COPY).

The authoritative reference and input builder live on the scoring server;
editing this copy changes nothing except your own understanding.
"""

import jax, jax.numpy as jnp
import numpy as np

N_NODES = 10000
N_EDGES = 160000
D_FEAT = 256
HIDDEN = 512
OUT_CH = 1
N_GRAPHS = 64


def setup_inputs(seed: int = 0) -> dict:
    key = jax.random.key(seed)
    ks = jax.random.split(key, 10)
    x = jax.random.normal(ks[0], (N_NODES, D_FEAT), dtype=jnp.float32)
    edge_index = jax.random.randint(ks[1], (2, N_EDGES), 0, N_NODES, dtype=jnp.int64 if jax.config.jax_enable_x64 else jnp.int32)
    batch = jnp.sort(jax.random.randint(ks[2], (N_NODES,), 0, N_GRAPHS, dtype=jnp.int64 if jax.config.jax_enable_x64 else jnp.int32))
    # GCNConv uses Glorot init for weight, zeros for bias
    def glorot(k, fan_in, fan_out):
        limit = jnp.sqrt(6.0 / (fan_in + fan_out))
        return jax.random.uniform(k, (fan_in, fan_out), dtype=jnp.float32, minval=-limit, maxval=limit)
    W1 = glorot(ks[3], D_FEAT, HIDDEN)
    b1 = jnp.zeros((HIDDEN,), dtype=jnp.float32)
    W2 = glorot(ks[4], HIDDEN, HIDDEN)
    b2 = jnp.zeros((HIDDEN,), dtype=jnp.float32)
    Wout = glorot(ks[5], HIDDEN, OUT_CH)
    bout = jnp.zeros((OUT_CH,), dtype=jnp.float32)
    return {"x": x, "edge_index": edge_index, "batch": batch, "W1": W1, "b1": b1, "W2": W2, "b2": b2, "Wout": Wout, "bout": bout}


def _gcn_conv(x, W, b, src, dst, norm, n_nodes):
    # GCNConv: out = D^{-1/2} (A + I) D^{-1/2} X W + b
    h = x @ W
    msg = h[src] * norm[:, None]
    out = jnp.zeros((n_nodes, W.shape[1]), dtype=h.dtype).at[dst].add(msg)
    return out + b


def _gcn_norm(edge_index, n_nodes):
    # add self loops, compute symmetric normalization coefficients
    loop = jnp.arange(n_nodes, dtype=edge_index.dtype)
    src = jnp.concatenate([edge_index[0], loop])
    dst = jnp.concatenate([edge_index[1], loop])
    deg = jnp.zeros((n_nodes,), dtype=jnp.float32).at[dst].add(1.0)
    deg_inv_sqrt = jnp.where(deg > 0, 1.0 / jnp.sqrt(jnp.maximum(deg, 1e-12)), 0.0)
    norm = deg_inv_sqrt[src] * deg_inv_sqrt[dst]
    return src, dst, norm


def reference(x, edge_index, batch, W1, b1, W2, b2, Wout, bout):
    n_nodes = x.shape[0]
    src, dst, norm = _gcn_norm(edge_index, n_nodes)
    h = _gcn_conv(x, W1, b1, src, dst, norm, n_nodes)
    h = jax.nn.relu(h)
    h = _gcn_conv(h, W2, b2, src, dst, norm, n_nodes)
    h = jax.nn.relu(h)
    pooled = jax.ops.segment_sum(h, batch, num_segments=N_GRAPHS)
    out = pooled @ Wout + bout
    return out

if __name__ == "__main__":
    import jax
    _d = setup_inputs()
    print(jax.jit(kernel)(*tuple(_d.values())))

</pallas_src>

<mosaic_0001>
#map = affine_map<(d0, d1) -> (0, 0, 0)>
#map1 = affine_map<(d0, d1) -> (0)>
module attributes {stable_mosaic.version = 14 : i64} {
  func.func @_deg_body(%arg0: i32, %arg1: i32, %arg2: memref<16x80x128xi32, #tpu.memory_space<hbm>>, %arg3: memref<10240xf32, #tpu.memory_space<hbm>>, %arg4: memref<2x1x10240xf32, #tpu.memory_space<hbm>>, %arg5: memref<80x128xi32, #tpu.memory_space<vmem>>, %arg6: memref<128xf32, #tpu.memory_space<vmem>>, %arg7: memref<10240xf32, #tpu.memory_space<vmem_shared>>) attributes {dimension_semantics = [#tpu.dimension_semantics<core_parallel>, #tpu.dimension_semantics<subcore_parallel>], iteration_bounds = array<i64: 2, 16>, scalar_prefetch = 0 : i64, scratch_operands = 3 : i64, tpu.core_type = #tpu.core_type<sc_vector_subcore>, window_params = [{transform_indices = #map}, {transform_indices = #map1}, {transform_indices = #map}]} {
    %broadcast_in_dim3A = arith.constant 1.000000e+00 : f32
    %broadcast_in_dim3A_0 = vector.broadcast %broadcast_in_dim3A : f32 to vector<16xf32>
    %swap3A = arith.constant 0 : index
    %swap3A_1 = tpu.vector_load %arg6[%swap3A] {strides = array<i32>} : memref<128xf32, #tpu.memory_space<vmem>>, vector<16xf32>,
    %swap3A_2 = vector.shape_cast %swap3A_1 : vector<16xf32> to vector<16xf32>
    %swap3A_3 = vector.shape_cast %broadcast_in_dim3A_0 : vector<16xf32> to vector<16xf32>
    tpu.vector_store %arg6[%swap3A], %swap3A_3 {strides = array<i32>} : memref<128xf32, #tpu.memory_space<vmem>>, vector<16xf32>,
    %broadcast_in_dim3A_4 = arith.constant 1.000000e+00 : f32
    %broadcast_in_dim3A_5 = vector.broadcast %broadcast_in_dim3A_4 : f32 to vector<16xf32>
    %swap3A_6 = arith.constant 16 : index
    %swap3A_7 = tpu.vector_load %arg6[%swap3A_6] {strides = array<i32>} : memref<128xf32, #tpu.memory_space<vmem>>, vector<16xf32>,
    %swap3A_8 = vector.shape_cast %swap3A_7 : vector<16xf32> to vector<16xf32>
    %swap3A_9 = vector.shape_cast %broadcast_in_dim3A_5 : vector<16xf32> to vector<16xf32>
    tpu.vector_store %arg6[%swap3A_6], %swap3A_9 {strides = array<i32>} : memref<128xf32, #tpu.memory_space<vmem>>, vector<16xf32>,
    %broadcast_in_dim3A_10 = arith.constant 1.000000e+00 : f32
    %broadcast_in_dim3A_11 = vector.broadcast %broadcast_in_dim3A_10 : f32 to vector<16xf32>
    %swap3A_12 = arith.constant 32 : index
    %swap3A_13 = tpu.vector_load %arg6[%swap3A_12] {strides = array<i32>} : memref<128xf32, #tpu.memory_space<vmem>>, vector<16xf32>,
    %swap3A_14 = vector.shape_cast %swap3A_13 : vector<16xf32> to vector<16xf32>
    %swap3A_15 = vector.shape_cast %broadcast_in_dim3A_11 : vector<16xf32> to vector<16xf32>
    tpu.vector_store %arg6[%swap3A_12], %swap3A_15 {strides = array<i32>} : memref<128xf32, #tpu.memory_space<vmem>>, vector<16xf32>,
    %broadcast_in_dim3A_16 = arith.constant 1.000000e+00 : f32
    %broadcast_in_dim3A_17 = vector.broadcast %broadcast_in_dim3A_16 : f32 to vector<16xf32>
    %swap3A_18 = arith.constant 48 : index
    %swap3A_19 = tpu.vector_load %arg6[%swap3A_18] {strides = array<i32>} : memref<128xf32, #tpu.memory_space<vmem>>, vector<16xf32>,
    %swap3A_20 = vector.shape_cast %swap3A_19 : vector<16xf32> to vector<16xf32>
    %swap3A_21 = vector.shape_cast %broadcast_in_dim3A_17 : vector<16xf32> to vector<16xf32>
    tpu.vector_store %arg6[%swap3A_18], %swap3A_21 {strides = array<i32>} : memref<128xf32, #tpu.memory_space<vmem>>, vector<16xf32>,
    %broadcast_in_dim3A_22 = arith.constant 1.000000e+00 : f32
    %broadcast_in_dim3A_23 = vector.broadcast %broadcast_in_dim3A_22 : f32 to vector<16xf32>
    %swap3A_24 = arith.constant 64 : index
    %swap3A_25 = tpu.vector_load %arg6[%swap3A_24] {strides = array<i32>} : memref<128xf32, #tpu.memory_space<vmem>>, vector<16xf32>,
    %swap3A_26 = vector.shape_cast %swap3A_25 : vector<16xf32> to vector<16xf32>
    %swap3A_27 = vector.shape_cast %broadcast_in_dim3A_23 : vector<16xf32> to vector<16xf32>
    tpu.vector_store %arg6[%swap3A_24], %swap3A_27 {strides = array<i32>} : memref<128xf32, #tpu.memory_space<vmem>>, vector<16xf32>,
    %broadcast_in_dim3A_28 = arith.constant 1.000000e+00 : f32
    %broadcast_in_dim3A_29 = vector.broadcast %broadcast_in_dim3A_28 : f32 to vector<16xf32>
    %swap3A_30 = arith.constant 80 : index
    %swap3A_31 = tpu.vector_load %arg6[%swap3A_30] {strides = array<i32>} : memref<128xf32, #tpu.memory_space<vmem>>, vector<16xf32>,
    %swap3A_32 = vector.shape_cast %swap3A_31 : vector<16xf32> to vector<16xf32>
    %swap3A_33 = vector.shape_cast %broadcast_in_dim3A_29 : vector<16xf32> to vector<16xf32>
    tpu.vector_store %arg6[%swap3A_30], %swap3A_33 {strides = array<i32>} : memref<128xf32, #tpu.memory_space<vmem>>, vector<16xf32>,
    %broadcast_in_dim3A_34 = arith.constant 1.000000e+00 : f32
    %broadcast_in_dim3A_35 = vector.broadcast %broadcast_in_dim3A_34 : f32 to vector<16xf32>
    %swap3A_36 = arith.constant 96 : index
    %swap3A_37 = tpu.vector_load %arg6[%swap3A_36] {strides = array<i32>} : memref<128xf32, #tpu.memory_space<vmem>>, vector<16xf32>,
    %swap3A_38 = vector.shape_cast %swap3A_37 : vector<16xf32> to vector<16xf32>
    %swap3A_39 = vector.shape_cast %broadcast_in_dim3A_35 : vector<16xf32> to vector<16xf32>
    tpu.vector_store %arg6[%swap3A_36], %swap3A_39 {strides = array<i32>} : memref<128xf32, #tpu.memory_space<vmem>>, vector<16xf32>,
    %broadcast_in_dim3A_40 = arith.constant 1.000000e+00 : f32
    %broadcast_in_dim3A_41 = vector.broadcast %broadcast_in_dim3A_40 : f32 to vector<16xf32>
    %swap3A_42 = arith.constant 112 : index
    %swap3A_43 = tpu.vector_load %arg6[%swap3A_42] {strides = array<i32>} : memref<128xf32, #tpu.memory_space<vmem>>, vector<16xf32>,
    %swap3A_44 = vector.shape_cast %swap3A_43 : vector<16xf32> to vector<16xf32>
    %swap3A_45 = vector.shape_cast %broadcast_in_dim3A_41 : vector<16xf32> to vector<16xf32>
    tpu.vector_store %arg6[%swap3A_42], %swap3A_45 {strides = array<i32>} : memref<128xf32, #tpu.memory_space<vmem>>, vector<16xf32>,
    %mul3A = arith.constant 640 : i32
    %mul3A_46 = arith.muli %arg1, %mul3A : i32
    %multiple_of3A = tpu.assume_multiple %mul3A_46, 128 : i32
    "tpu.region"() ({
      %run_scoped3A_59 = tpu.sem_alloc : memref<!tpu.dma_semaphore, #tpu.memory_space<semaphore_mem>>
      %dma_start3A = tpu.memref_slice %arg7[%multiple_of3A] : memref<10240xf32, #tpu.memory_space<vmem_shared>> -> memref<640xf32, #tpu.memory_space<vmem_shared>>
      %dma_start3A_60 = tpu.memref_slice %arg3[%multiple_of3A] : memref<10240xf32, #tpu.memory_space<hbm>> -> memref<640xf32, #tpu.memory_space<hbm>>
      tpu.enqueue_dma source(%dma_start3A_60 : memref<640xf32, #tpu.memory_space<hbm>>) target(%dma_start3A : memref<640xf32, #tpu.memory_space<vmem_shared>>) target_semaphore(%run_scoped3A_59 : memref<!tpu.dma_semaphore, #tpu.memory_space<semaphore_mem>>)
      %dma_wait3A = tpu.memref_slice %arg7[%multiple_of3A] : memref<10240xf32, #tpu.memory_space<vmem_shared>> -> memref<640xf32, #tpu.memory_space<vmem_shared>>
      %dma_wait3A_61 = tpu.memref_slice %arg3[%multiple_of3A] : memref<10240xf32, #tpu.memory_space<hbm>> -> memref<640xf32, #tpu.memory_space<hbm>>
      tpu.wait_dma2 semaphore(%run_scoped3A_59 : memref<!tpu.dma_semaphore, #tpu.memory_space<semaphore_mem>>) src(%dma_wait3A_61 : memref<640xf32, #tpu.memory_space<hbm>>) dst(%dma_wait3A : memref<640xf32, #tpu.memory_space<vmem_shared>>)
      tpu.yield
    }) : () -> ()
    "tpu.region"() ({
      %run_scoped3A_59 = tpu.sem_alloc : memref<!tpu.dma_semaphore, #tpu.memory_space<semaphore_mem>>
      %dma_start3A = arith.constant 0 : i32
      %dma_start3A_60 = arith.constant 0 : i32
      %dma_start3A_61 = tpu.memref_slice %arg2[%arg1, %dma_start3A, %dma_start3A_60] : memref<16x80x128xi32, #tpu.memory_space<hbm>> -> memref<1x80x128xi32, #tpu.memory_space<hbm>>
      %dma_start3A_62 = tpu.memref_squeeze %dma_start3A_61 : memref<1x80x128xi32, #tpu.memory_space<hbm>> -> memref<80x128xi32, #tpu.memory_space<hbm>>
      %dma_start3A_63 = arith.constant 0 : i32
      %dma_start3A_64 = arith.constant 0 : i32
      %dma_start3A_65 = tpu.memref_slice %arg2[%arg1, %dma_start3A_63, %dma_start3A_64] : memref<16x80x128xi32, #tpu.memory_space<hbm>> -> memref<1x80x128xi32, #tpu.memory_space<hbm>>
      %dma_start3A_66 = tpu.memref_squeeze %dma_start3A_65 : memref<1x80x128xi32, #tpu.memory_space<hbm>> -> memref<80x128xi32, #tpu.memory_space<hbm>>
      tpu.enqueue_dma source(%dma_start3A_66 : memref<80x128xi32, #tpu.memory_space<hbm>>) target(%arg5 : memref<80x128xi32, #tpu.memory_space<vmem>>) target_semaphore(%run_scoped3A_59 : memref<!tpu.dma_semaphore, #tpu.memory_space<semaphore_mem>>)
      %dma_wait3A = arith.constant 0 : i32
      %dma_wait3A_67 = arith.constant 0 : i32
      %dma_wait3A_68 = tpu.memref_slice %arg2[%arg1, %dma_wait3A, %dma_wait3A_67] : memref<16x80x128xi32, #tpu.memory_space<hbm>> -> memref<1x80x128xi32, #tpu.memory_space<hbm>>
      %dma_wait3A_69 = tpu.memref_squeeze %dma_wait3A_68 : memref<1x80x128xi32, #tpu.memory_space<hbm>> -> memref<80x128xi32, #tpu.memory_space<hbm>>
      %dma_wait3A_70 = arith.constant 0 : i32
      %dma_wait3A_71 = arith.constant 0 : i32
      %dma_wait3A_72 = tpu.memref_slice %arg2[%arg1, %dma_wait3A_70, %dma_wait3A_71] : memref<16x80x128xi32, #tpu.memory_space<hbm>> -> memref<1x80x128xi32, #tpu.memory_space<hbm>>
      %dma_wait3A_73 = tpu.memref_squeeze %dma_wait3A_72 : memref<1x80x128xi32, #tpu.memory_space<hbm>> -> memref<80x128xi32, #tpu.memory_space<hbm>>
      tpu.wait_dma2 semaphore(%run_scoped3A_59 : memref<!tpu.dma_semaphore, #tpu.memory_space<semaphore_mem>>) src(%dma_wait3A_73 : memref<80x128xi32, #tpu.memory_space<hbm>>) dst(%arg5 : memref<80x128xi32, #tpu.memory_space<vmem>>)
      tpu.yield
    }) : () -> ()
    %barrier3A = arith.constant 0 : index
    tpu.barrier barrier_id(%barrier3A)
    %mul3A_47 = arith.constant 40 : i32
    %mul3A_48 = arith.muli %arg0, %mul3A_47 : i32
    %add3A = arith.constant 40 : i32
    %add3A_49 = arith.addi %mul3A_48, %add3A : i32
    %while3A = arith.constant 0 : i32
    %while3A_50 = arith.subi %add3A_49, %mul3A_48 : i32
    %while3A_51 = arith.addi %mul3A_48, %while3A_50 : i32
    %while3A_52 = arith.constant 1 : i32
    %while3A_53 = arith.divsi %while3A_50, %while3A_52 : i32
    %while3A_54 = arith.muli %while3A_53, %while3A_52 : i32
    %while3A_55 = arith.addi %mul3A_48, %while3A_54 : i32
    %while3A_56 = arith.constant 1 : i32
    scf.for %while3A_59 = %mul3A_48 to %while3A_55 step %while3A_56  : i32 {
      "tpu.region"() ({
        %run_scoped3A_60 = tpu.sem_alloc : memref<!tpu.dma_semaphore, #tpu.memory_space<semaphore_mem>>
        %dma_start3A = arith.constant 0 : i32
        %dma_start3A_61 = tpu.memref_slice %arg5[%while3A_59, %dma_start3A] : memref<80x128xi32, #tpu.memory_space<vmem>> -> memref<1x128xi32, #tpu.memory_space<vmem>>
        %dma_start3A_62 = tpu.memref_squeeze %dma_start3A_61 : memref<1x128xi32, #tpu.memory_space<vmem>> -> memref<128xi32, #tpu.memory_space<vmem>>
        %dma_start3A_63 = arith.constant 0 : i32
        %dma_start3A_64 = tpu.memref_slice %arg7[%dma_start3A_63] : memref<10240xf32, #tpu.memory_space<vmem_shared>> -> memref<10240xf32, #tpu.memory_space<vmem_shared>>
        tpu.enqueue_indirect_dma source(%arg6 : memref<128xf32, #tpu.memory_space<vmem>>) target(%dma_start3A_64 : memref<10240xf32, #tpu.memory_space<vmem_shared>>) offsets(%dma_start3A_62 : memref<128xi32, #tpu.memory_space<vmem>>) semaphore(%run_scoped3A_60 : memref<!tpu.dma_semaphore, #tpu.memory_space<semaphore_mem>>) {add = true}
        %dma_wait3A = arith.constant 0 : i32
        %dma_wait3A_65 = tpu.memref_slice %arg5[%while3A_59, %dma_wait3A] : memref<80x128xi32, #tpu.memory_space<vmem>> -> memref<1x128xi32, #tpu.memory_space<vmem>>
        %dma_wait3A_66 = tpu.memref_squeeze %dma_wait3A_65 : memref<1x128xi32, #tpu.memory_space<vmem>> -> memref<128xi32, #tpu.memory_space<vmem>>
        %dma_wait3A_67 = arith.constant 0 : i32
        %dma_wait3A_68 = tpu.memref_slice %arg7[%dma_wait3A_67] : memref<10240xf32, #tpu.memory_space<vmem_shared>> -> memref<10240xf32, #tpu.memory_space<vmem_shared>>
        tpu.wait_indirect_dma semaphore(%run_scoped3A_60 : memref<!tpu.dma_semaphore, #tpu.memory_space<semaphore_mem>>) src(%arg6 : memref<128xf32, #tpu.memory_space<vmem>>) dst(%dma_wait3A_68 : memref<10240xf32, #tpu.memory_space<vmem_shared>>)
        tpu.yield
      }) : () -> ()
    }
    %while3A_57 = arith.constant 1 : i32
    scf.for %while3A_59 = %while3A_55 to %while3A_51 step %while3A_57  : i32 {
      "tpu.region"() ({
        %run_scoped3A_60 = tpu.sem_alloc : memref<!tpu.dma_semaphore, #tpu.memory_space<semaphore_mem>>
        %dma_start3A = arith.constant 0 : i32
        %dma_start3A_61 = tpu.memref_slice %arg5[%while3A_59, %dma_start3A] : memref<80x128xi32, #tpu.memory_space<vmem>> -> memref<1x128xi32, #tpu.memory_space<vmem>>
        %dma_start3A_62 = tpu.memref_squeeze %dma_start3A_61 : memref<1x128xi32, #tpu.memory_space<vmem>> -> memref<128xi32, #tpu.memory_space<vmem>>
        %dma_start3A_63 = arith.constant 0 : i32
        %dma_start3A_64 = tpu.memref_slice %arg7[%dma_start3A_63] : memref<10240xf32, #tpu.memory_space<vmem_shared>> -> memref<10240xf32, #tpu.memory_space<vmem_shared>>
        tpu.enqueue_indirect_dma source(%arg6 : memref<128xf32, #tpu.memory_space<vmem>>) target(%dma_start3A_64 : memref<10240xf32, #tpu.memory_space<vmem_shared>>) offsets(%dma_start3A_62 : memref<128xi32, #tpu.memory_space<vmem>>) semaphore(%run_scoped3A_60 : memref<!tpu.dma_semaphore, #tpu.memory_space<semaphore_mem>>) {add = true}
        %dma_wait3A = arith.constant 0 : i32
        %dma_wait3A_65 = tpu.memref_slice %arg5[%while3A_59, %dma_wait3A] : memref<80x128xi32, #tpu.memory_space<vmem>> -> memref<1x128xi32, #tpu.memory_space<vmem>>
        %dma_wait3A_66 = tpu.memref_squeeze %dma_wait3A_65 : memref<1x128xi32, #tpu.memory_space<vmem>> -> memref<128xi32, #tpu.memory_space<vmem>>
        %dma_wait3A_67 = arith.constant 0 : i32
        %dma_wait3A_68 = tpu.memref_slice %arg7[%dma_wait3A_67] : memref<10240xf32, #tpu.memory_space<vmem_shared>> -> memref<10240xf32, #tpu.memory_space<vmem_shared>>
        tpu.wait_indirect_dma semaphore(%run_scoped3A_60 : memref<!tpu.dma_semaphore, #tpu.memory_space<semaphore_mem>>) src(%arg6 : memref<128xf32, #tpu.memory_space<vmem>>) dst(%dma_wait3A_68 : memref<10240xf32, #tpu.memory_space<vmem_shared>>)
        tpu.yield
      }) : () -> ()
    }
    %barrier3A_58 = arith.constant 0 : index
    tpu.barrier barrier_id(%barrier3A_58)
    %run_scoped3A = arith.constant 0 : i32
    "tpu.region"() ({
      %run_scoped3A_59 = tpu.sem_alloc : memref<!tpu.dma_semaphore, #tpu.memory_space<semaphore_mem>>
      %dma_start3A = tpu.memref_slice %arg4[%arg0, %run_scoped3A, %multiple_of3A] : memref<2x1x10240xf32, #tpu.memory_space<hbm>> -> memref<1x1x640xf32, #tpu.memory_space<hbm>>
      %dma_start3A_60 = tpu.memref_squeeze %dma_start3A : memref<1x1x640xf32, #tpu.memory_space<hbm>> -> memref<640xf32, #tpu.memory_space<hbm>>
      %dma_start3A_61 = tpu.memref_slice %arg7[%multiple_of3A] : memref<10240xf32, #tpu.memory_space<vmem_shared>> -> memref<640xf32, #tpu.memory_space<vmem_shared>>
      tpu.enqueue_dma source(%dma_start3A_61 : memref<640xf32, #tpu.memory_space<vmem_shared>>) target(%dma_start3A_60 : memref<640xf32, #tpu.memory_space<hbm>>) target_semaphore(%run_scoped3A_59 : memref<!tpu.dma_semaphore, #tpu.memory_space<semaphore_mem>>)
      %dma_wait3A = tpu.memref_slice %arg4[%arg0, %run_scoped3A, %multiple_of3A] : memref<2x1x10240xf32, #tpu.memory_space<hbm>> -> memref<1x1x640xf32, #tpu.memory_space<hbm>>
      %dma_wait3A_62 = tpu.memref_squeeze %dma_wait3A : memref<1x1x640xf32, #tpu.memory_space<hbm>> -> memref<640xf32, #tpu.memory_space<hbm>>
      %dma_wait3A_63 = tpu.memref_slice %arg7[%multiple_of3A] : memref<10240xf32, #tpu.memory_space<vmem_shared>> -> memref<640xf32, #tpu.memory_space<vmem_shared>>
      tpu.wait_dma2 semaphore(%run_scoped3A_59 : memref<!tpu.dma_semaphore, #tpu.memory_space<semaphore_mem>>) src(%dma_wait3A_63 : memref<640xf32, #tpu.memory_space<vmem_shared>>) dst(%dma_wait3A_62 : memref<640xf32, #tpu.memory_space<hbm>>)
      tpu.yield
    }) : () -> ()
    return
  }
}

#map = affine_map<(d0, d1) -> (0, 0)>
#map1 = affine_map<(d0, d1) -> (0, 0, 0, 0, 0)>
module attributes {stable_mosaic.version = 14 : i64} {
  func.func @sc_edge_scatter(%arg0: i32, %arg1: i32, %arg2: memref<40960x128xf32, #tpu.memory_space<hbm>>, %arg3: memref<4x16x2x80x128xi32, #tpu.memory_space<hbm>>, %arg4: memref<40960x128xf32, #tpu.memory_space<hbm>>, %arg5: memref<2x80x128xi32, #tpu.memory_space<vmem>>, %arg6: memref<128x128xf32, #tpu.memory_space<vmem>>, %arg7: memref<!tpu.dma_semaphore, #tpu.memory_space<semaphore_mem>>, %arg8: memref<!tpu.dma_semaphore, #tpu.memory_space<semaphore_mem>>, %arg9: memref<10240x128xf32, #tpu.memory_space<vmem_shared>>) attributes {dimension_semantics = [#tpu.dimension_semantics<core_parallel>, #tpu.dimension_semantics<subcore_parallel>], iteration_bounds = array<i64: 2, 16>, scalar_prefetch = 0 : i64, scratch_operands = 5 : i64, tpu.core_type = #tpu.core_type<sc_vector_subcore>, window_params = [{transform_indices = #map}, {transform_indices = #map1}, {transform_indices = #map}]} {
    %mul3A = arith.constant 640 : i32
    %mul3A_0 = arith.muli %arg1, %mul3A : i32
    %multiple_of3A = tpu.assume_multiple %mul3A_0, 128 : i32
    %scan3A = arith.constant 0 : i32
    %scan3A_1 = arith.constant 0 : i32
    %scan3A_2 = arith.constant 2 : i32
    %scan3A_3 = arith.addi %scan3A_1, %scan3A_2 : i32
    %scan3A_4 = arith.constant 1 : i32
    scf.for %scan3A_6 = %scan3A_1 to %scan3A_3 step %scan3A_4  : i32 {
      %mul3A_7 = arith.constant 2 : i32
      %mul3A_8 = arith.muli %mul3A_7, %arg0 : i32
      %add3A = arith.addi %mul3A_8, %scan3A_6 : i32
      %mul3A_9 = arith.constant 10240 : i32
      %mul3A_10 = arith.muli %add3A, %mul3A_9 : i32
      %multiple_of3A_11 = tpu.assume_multiple %mul3A_10, 128 : i32
      %add3A_12 = arith.addi %multiple_of3A_11, %multiple_of3A : i32
      "tpu.region"() ({
        %run_scoped3A = tpu.sem_alloc : memref<!tpu.dma_semaphore, #tpu.memory_space<semaphore_mem>>
        %dma_start3A = arith.constant 0 : i32
        %dma_start3A_23 = arith.constant 0 : i32
        %dma_start3A_24 = arith.constant 0 : i32
        %dma_start3A_25 = tpu.memref_slice %arg3[%add3A, %arg1, %dma_start3A, %dma_start3A_23, %dma_start3A_24] : memref<4x16x2x80x128xi32, #tpu.memory_space<hbm>> -> memref<1x1x2x80x128xi32, #tpu.memory_space<hbm>>
        %dma_start3A_26 = tpu.memref_squeeze %dma_start3A_25 : memref<1x1x2x80x128xi32, #tpu.memory_space<hbm>> -> memref<2x80x128xi32, #tpu.memory_space<hbm>>
        %dma_start3A_27 = arith.constant 0 : i32
        %dma_start3A_28 = arith.constant 0 : i32
        %dma_start3A_29 = arith.constant 0 : i32
        %dma_start3A_30 = tpu.memref_slice %arg3[%add3A, %arg1, %dma_start3A_27, %dma_start3A_28, %dma_start3A_29] : memref<4x16x2x80x128xi32, #tpu.memory_space<hbm>> -> memref<1x1x2x80x128xi32, #tpu.memory_space<hbm>>
        %dma_start3A_31 = tpu.memref_squeeze %dma_start3A_30 : memref<1x1x2x80x128xi32, #tpu.memory_space<hbm>> -> memref<2x80x128xi32, #tpu.memory_space<hbm>>
        tpu.enqueue_dma source(%dma_start3A_31 : memref<2x80x128xi32, #tpu.memory_space<hbm>>) target(%arg5 : memref<2x80x128xi32, #tpu.memory_space<vmem>>) target_semaphore(%run_scoped3A : memref<!tpu.dma_semaphore, #tpu.memory_space<semaphore_mem>>)
        %dma_wait3A = arith.constant 0 : i32
        %dma_wait3A_32 = arith.constant 0 : i32
        %dma_wait3A_33 = arith.constant 0 : i32
        %dma_wait3A_34 = tpu.memref_slice %arg3[%add3A, %arg1, %dma_wait3A, %dma_wait3A_32, %dma_wait3A_33] : memref<4x16x2x80x128xi32, #tpu.memory_space<hbm>> -> memref<1x1x2x80x128xi32, #tpu.memory_space<hbm>>
        %dma_wait3A_35 = tpu.memref_squeeze %dma_wait3A_34 : memref<1x1x2x80x128xi32, #tpu.memory_space<hbm>> -> memref<2x80x128xi32, #tpu.memory_space<hbm>>
        %dma_wait3A_36 = arith.constant 0 : i32
        %dma_wait3A_37 = arith.constant 0 : i32
        %dma_wait3A_38 = arith.constant 0 : i32
        %dma_wait3A_39 = tpu.memref_slice %arg3[%add3A, %arg1, %dma_wait3A_36, %dma_wait3A_37, %dma_wait3A_38] : memref<4x16x2x80x128xi32, #tpu.memory_space<hbm>> -> memref<1x1x2x80x128xi32, #tpu.memory_space<hbm>>
        %dma_wait3A_40 = tpu.memref_squeeze %dma_wait3A_39 : memref<1x1x2x80x128xi32, #tpu.memory_space<hbm>> -> memref<2x80x128xi32, #tpu.memory_space<hbm>>
        tpu.wait_dma2 semaphore(%run_scoped3A : memref<!tpu.dma_semaphore, #tpu.memory_space<semaphore_mem>>) src(%dma_wait3A_40 : memref<2x80x128xi32, #tpu.memory_space<hbm>>) dst(%arg5 : memref<2x80x128xi32, #tpu.memory_space<vmem>>)
        tpu.yield
      }) : () -> ()
      "tpu.region"() ({
        %run_scoped3A = tpu.sem_alloc : memref<!tpu.dma_semaphore, #tpu.memory_space<semaphore_mem>>
        %dma_start3A = arith.constant 0 : i32
        %dma_start3A_23 = tpu.memref_slice %arg9[%multiple_of3A, %dma_start3A] : memref<10240x128xf32, #tpu.memory_space<vmem_shared>> -> memref<640x128xf32, #tpu.memory_space<vmem_shared>>
        %dma_start3A_24 = arith.constant 0 : i32
        %dma_start3A_25 = tpu.memref_slice %arg2[%add3A_12, %dma_start3A_24] : memref<40960x128xf32, #tpu.memory_space<hbm>> -> memref<640x128xf32, #tpu.memory_space<hbm>>
        tpu.enqueue_dma source(%dma_start3A_25 : memref<640x128xf32, #tpu.memory_space<hbm>>) target(%dma_start3A_23 : memref<640x128xf32, #tpu.memory_space<vmem_shared>>) target_semaphore(%run_scoped3A : memref<!tpu.dma_semaphore, #tpu.memory_space<semaphore_mem>>)
        %dma_wait3A = arith.constant 0 : i32
        %dma_wait3A_26 = tpu.memref_slice %arg9[%multiple_of3A, %dma_wait3A] : memref<10240x128xf32, #tpu.memory_space<vmem_shared>> -> memref<640x128xf32, #tpu.memory_space<vmem_shared>>
        %dma_wait3A_27 = arith.constant 0 : i32
        %dma_wait3A_28 = tpu.memref_slice %arg2[%add3A_12, %dma_wait3A_27] : memref<40960x128xf32, #tpu.memory_space<hbm>> -> memref<640x128xf32, #tpu.memory_space<hbm>>
        tpu.wait_dma2 semaphore(%run_scoped3A : memref<!tpu.dma_semaphore, #tpu.memory_space<semaphore_mem>>) src(%dma_wait3A_28 : memref<640x128xf32, #tpu.memory_space<hbm>>) dst(%dma_wait3A_26 : memref<640x128xf32, #tpu.memory_space<vmem_shared>>)
        tpu.yield
      }) : () -> ()
      %barrier3A = arith.constant 0 : index
      tpu.barrier barrier_id(%barrier3A)
      %scan3A_13 = arith.constant 0 : i32
      %scan3A_14 = arith.constant 0 : i32
      %scan3A_15 = arith.constant 1 : i32
      %scan3A_16 = arith.constant 0 : i32
      %scan3A_17 = arith.constant 80 : i32
      %scan3A_18 = arith.addi %scan3A_16, %scan3A_17 : i32
      %scan3A_19 = arith.constant 1 : i32
      scf.for %scan3A_23 = %scan3A_16 to %scan3A_18 step %scan3A_19  : i32 {
        %dma_start3A = arith.constant 0 : i32
        %dma_start3A_24 = arith.constant 0 : i32
        %dma_start3A_25 = tpu.memref_slice %arg5[%scan3A_14, %dma_start3A, %dma_start3A_24] : memref<2x80x128xi32, #tpu.memory_space<vmem>> -> memref<1x80x128xi32, #tpu.memory_space<vmem>>
        %dma_start3A_26 = tpu.memref_squeeze %dma_start3A_25 : memref<1x80x128xi32, #tpu.memory_space<vmem>> -> memref<80x128xi32, #tpu.memory_space<vmem>>
        %dma_start3A_27 = arith.constant 0 : i32
        %dma_start3A_28 = tpu.memref_slice %dma_start3A_26[%scan3A_23, %dma_start3A_27] : memref<80x128xi32, #tpu.memory_space<vmem>> -> memref<1x128xi32, #tpu.memory_space<vmem>>
        %dma_start3A_29 = tpu.memref_squeeze %dma_start3A_28 : memref<1x128xi32, #tpu.memory_space<vmem>> -> memref<128xi32, #tpu.memory_space<vmem>>
        %dma_start3A_30 = arith.constant 0 : i32
        %dma_start3A_31 = arith.constant 0 : i32
        %dma_start3A_32 = tpu.memref_slice %arg2[%dma_start3A_30, %dma_start3A_31] : memref<40960x128xf32, #tpu.memory_space<hbm>> -> memref<40960x128xf32, #tpu.memory_space<hbm>>
        tpu.enqueue_indirect_dma source(%dma_start3A_32 : memref<40960x128xf32, #tpu.memory_space<hbm>>) target(%arg6 : memref<128x128xf32, #tpu.memory_space<vmem>>) offsets(%dma_start3A_29 : memref<128xi32, #tpu.memory_space<vmem>>) semaphore(%arg7 : memref<!tpu.dma_semaphore, #tpu.memory_space<semaphore_mem>>)
        %dma_wait3A = arith.constant 0 : i32
        %dma_wait3A_33 = arith.constant 0 : i32
        %dma_wait3A_34 = tpu.memref_slice %arg5[%scan3A_14, %dma_wait3A, %dma_wait3A_33] : memref<2x80x128xi32, #tpu.memory_space<vmem>> -> memref<1x80x128xi32, #tpu.memory_space<vmem>>
        %dma_wait3A_35 = tpu.memref_squeeze %dma_wait3A_34 : memref<1x80x128xi32, #tpu.memory_space<vmem>> -> memref<80x128xi32, #tpu.memory_space<vmem>>
        %dma_wait3A_36 = arith.constant 0 : i32
        %dma_wait3A_37 = tpu.memref_slice %dma_wait3A_35[%scan3A_23, %dma_wait3A_36] : memref<80x128xi32, #tpu.memory_space<vmem>> -> memref<1x128xi32, #tpu.memory_space<vmem>>
        %dma_wait3A_38 = tpu.memref_squeeze %dma_wait3A_37 : memref<1x128xi32, #tpu.memory_space<vmem>> -> memref<128xi32, #tpu.memory_space<vmem>>
        %dma_wait3A_39 = arith.constant 0 : i32
        %dma_wait3A_40 = arith.constant 0 : i32
        %dma_wait3A_41 = tpu.memref_slice %arg2[%dma_wait3A_39, %dma_wait3A_40] : memref<40960x128xf32, #tpu.memory_space<hbm>> -> memref<40960x128xf32, #tpu.memory_space<hbm>>
        tpu.wait_indirect_dma semaphore(%arg7 : memref<!tpu.dma_semaphore, #tpu.memory_space<semaphore_mem>>) src(%dma_wait3A_41 : memref<40960x128xf32, #tpu.memory_space<hbm>>) dst(%arg6 : memref<128x128xf32, #tpu.memory_space<vmem>>)
        "tpu.region"() ({
          %run_scoped3A = tpu.sem_alloc : memref<!tpu.dma_semaphore, #tpu.memory_space<semaphore_mem>>
          %dma_start3A_42 = arith.constant 0 : i32
          %dma_start3A_43 = arith.constant 0 : i32
          %dma_start3A_44 = tpu.memref_slice %arg5[%scan3A_15, %dma_start3A_42, %dma_start3A_43] : memref<2x80x128xi32, #tpu.memory_space<vmem>> -> memref<1x80x128xi32, #tpu.memory_space<vmem>>
          %dma_start3A_45 = tpu.memref_squeeze %dma_start3A_44 : memref<1x80x128xi32, #tpu.memory_space<vmem>> -> memref<80x128xi32, #tpu.memory_space<vmem>>
          %dma_start3A_46 = arith.constant 0 : i32
          %dma_start3A_47 = tpu.memref_slice %dma_start3A_45[%scan3A_23, %dma_start3A_46] : memref<80x128xi32, #tpu.memory_space<vmem>> -> memref<1x128xi32, #tpu.memory_space<vmem>>
          %dma_start3A_48 = tpu.memref_squeeze %dma_start3A_47 : memref<1x128xi32, #tpu.memory_space<vmem>> -> memref<128xi32, #tpu.memory_space<vmem>>
          %dma_start3A_49 = arith.constant 0 : i32
          %dma_start3A_50 = arith.constant 0 : i32
          %dma_start3A_51 = tpu.memref_slice %arg9[%dma_start3A_49, %dma_start3A_50] : memref<10240x128xf32, #tpu.memory_space<vmem_shared>> -> memref<10240x128xf32, #tpu.memory_space<vmem_shared>>
          tpu.enqueue_indirect_dma source(%arg6 : memref<128x128xf32, #tpu.memory_space<vmem>>) target(%dma_start3A_51 : memref<10240x128xf32, #tpu.memory_space<vmem_shared>>) offsets(%dma_start3A_48 : memref<128xi32, #tpu.memory_space<vmem>>) semaphore(%run_scoped3A : memref<!tpu.dma_semaphore, #tpu.memory_space<semaphore_mem>>) {add = true}
          %dma_wait3A_52 = arith.constant 0 : i32
          %dma_wait3A_53 = arith.constant 0 : i32
          %dma_wait3A_54 = tpu.memref_slice %arg5[%scan3A_15, %dma_wait3A_52, %dma_wait3A_53] : memref<2x80x128xi32, #tpu.memory_space<vmem>> -> memref<1x80x128xi32, #tpu.memory_space<vmem>>
          %dma_wait3A_55 = tpu.memref_squeeze %dma_wait3A_54 : memref<1x80x128xi32, #tpu.memory_space<vmem>> -> memref<80x128xi32, #tpu.memory_space<vmem>>
          %dma_wait3A_56 = arith.constant 0 : i32
          %dma_wait3A_57 = tpu.memref_slice %dma_wait3A_55[%scan3A_23, %dma_wait3A_56] : memref<80x128xi32, #tpu.memory_space<vmem>> -> memref<1x128xi32, #tpu.memory_space<vmem>>
          %dma_wait3A_58 = tpu.memref_squeeze %dma_wait3A_57 : memref<1x128xi32, #tpu.memory_space<vmem>> -> memref<128xi32, #tpu.memory_space<vmem>>
          %dma_wait3A_59 = arith.constant 0 : i32
          %dma_wait3A_60 = arith.constant 0 : i32
          %dma_wait3A_61 = tpu.memref_slice %arg9[%dma_wait3A_59, %dma_wait3A_60] : memref<10240x128xf32, #tpu.memory_space<vmem_shared>> -> memref<10240x128xf32, #tpu.memory_space<vmem_shared>>
          tpu.wait_indirect_dma semaphore(%run_scoped3A : memref<!tpu.dma_semaphore, #tpu.memory_space<semaphore_mem>>) src(%arg6 : memref<128x128xf32, #tpu.memory_space<vmem>>) dst(%dma_wait3A_61 : memref<10240x128xf32, #tpu.memory_space<vmem_shared>>)
          tpu.yield
        }) : () -> ()
      }
      %scan3A_20 = arith.constant 80 : i32
      %barrier3A_21 = arith.constant 0 : index
      tpu.barrier barrier_id(%barrier3A_21)
      "tpu.region"() ({
        %run_scoped3A = tpu.sem_alloc : memref<!tpu.dma_semaphore, #tpu.memory_space<semaphore_mem>>
        %dma_start3A = arith.constant 0 : i32
        %dma_start3A_23 = tpu.memref_slice %arg4[%add3A_12, %dma_start3A] : memref<40960x128xf32, #tpu.memory_space<hbm>> -> memref<640x128xf32, #tpu.memory_space<hbm>>
        %dma_start3A_24 = arith.constant 0 : i32
        %dma_start3A_25 = tpu.memref_slice %arg9[%multiple_of3A, %dma_start3A_24] : memref<10240x128xf32, #tpu.memory_space<vmem_shared>> -> memref<640x128xf32, #tpu.memory_space<vmem_shared>>
        tpu.enqueue_dma source(%dma_start3A_25 : memref<640x128xf32, #tpu.memory_space<vmem_shared>>) target(%dma_start3A_23 : memref<640x128xf32, #tpu.memory_space<hbm>>) target_semaphore(%run_scoped3A : memref<!tpu.dma_semaphore, #tpu.memory_space<semaphore_mem>>)
        %dma_wait3A = arith.constant 0 : i32
        %dma_wait3A_26 = tpu.memref_slice %arg4[%add3A_12, %dma_wait3A] : memref<40960x128xf32, #tpu.memory_space<hbm>> -> memref<640x128xf32, #tpu.memory_space<hbm>>
        %dma_wait3A_27 = arith.constant 0 : i32
        %dma_wait3A_28 = tpu.memref_slice %arg9[%multiple_of3A, %dma_wait3A_27] : memref<10240x128xf32, #tpu.memory_space<vmem_shared>> -> memref<640x128xf32, #tpu.memory_space<vmem_shared>>
        tpu.wait_dma2 semaphore(%run_scoped3A : memref<!tpu.dma_semaphore, #tpu.memory_space<semaphore_mem>>) src(%dma_wait3A_28 : memref<640x128xf32, #tpu.memory_space<vmem_shared>>) dst(%dma_wait3A_26 : memref<640x128xf32, #tpu.memory_space<hbm>>)
        tpu.yield
      }) : () -> ()
      %barrier3A_22 = arith.constant 0 : index
      tpu.barrier barrier_id(%barrier3A_22)
    }
    %scan3A_5 = arith.constant 2 : i32
    return
  }
}

#map = affine_map<(d0, d1) -> (0, 0)>
#map1 = affine_map<(d0, d1) -> (0, 0, 0, 0, 0)>
module attributes {stable_mosaic.version = 14 : i64} {
  func.func @sc_edge_scatter(%arg0: i32, %arg1: i32, %arg2: memref<40960x128xf32, #tpu.memory_space<hbm>>, %arg3: memref<4x16x2x80x128xi32, #tpu.memory_space<hbm>>, %arg4: memref<40960x128xf32, #tpu.memory_space<hbm>>, %arg5: memref<2x80x128xi32, #tpu.memory_space<vmem>>, %arg6: memref<128x128xf32, #tpu.memory_space<vmem>>, %arg7: memref<!tpu.dma_semaphore, #tpu.memory_space<semaphore_mem>>, %arg8: memref<!tpu.dma_semaphore, #tpu.memory_space<semaphore_mem>>, %arg9: memref<10240x128xf32, #tpu.memory_space<vmem_shared>>) attributes {dimension_semantics = [#tpu.dimension_semantics<core_parallel>, #tpu.dimension_semantics<subcore_parallel>], iteration_bounds = array<i64: 2, 16>, scalar_prefetch = 0 : i64, scratch_operands = 5 : i64, tpu.core_type = #tpu.core_type<sc_vector_subcore>, window_params = [{transform_indices = #map}, {transform_indices = #map1}, {transform_indices = #map}]} {
    %mul3A = arith.constant 640 : i32
    %mul3A_0 = arith.muli %arg1, %mul3A : i32
    %multiple_of3A = tpu.assume_multiple %mul3A_0, 128 : i32
    %scan3A = arith.constant 0 : i32
    %scan3A_1 = arith.constant 0 : i32
    %scan3A_2 = arith.constant 2 : i32
    %scan3A_3 = arith.addi %scan3A_1, %scan3A_2 : i32
    %scan3A_4 = arith.constant 1 : i32
    scf.for %scan3A_6 = %scan3A_1 to %scan3A_3 step %scan3A_4  : i32 {
      %mul3A_7 = arith.constant 2 : i32
      %mul3A_8 = arith.muli %mul3A_7, %arg0 : i32
      %add3A = arith.addi %mul3A_8, %scan3A_6 : i32
      %mul3A_9 = arith.constant 10240 : i32
      %mul3A_10 = arith.muli %add3A, %mul3A_9 : i32
      %multiple_of3A_11 = tpu.assume_multiple %mul3A_10, 128 : i32
      %add3A_12 = arith.addi %multiple_of3A_11, %multiple_of3A : i32
      "tpu.region"() ({
        %run_scoped3A = tpu.sem_alloc : memref<!tpu.dma_semaphore, #tpu.memory_space<semaphore_mem>>
        %dma_start3A = arith.constant 0 : i32
        %dma_start3A_23 = arith.constant 0 : i32
        %dma_start3A_24 = arith.constant 0 : i32
        %dma_start3A_25 = tpu.memref_slice %arg3[%add3A, %arg1, %dma_start3A, %dma_start3A_23, %dma_start3A_24] : memref<4x16x2x80x128xi32, #tpu.memory_space<hbm>> -> memref<1x1x2x80x128xi32, #tpu.memory_space<hbm>>
        %dma_start3A_26 = tpu.memref_squeeze %dma_start3A_25 : memref<1x1x2x80x128xi32, #tpu.memory_space<hbm>> -> memref<2x80x128xi32, #tpu.memory_space<hbm>>
        %dma_start3A_27 = arith.constant 0 : i32
        %dma_start3A_28 = arith.constant 0 : i32
        %dma_start3A_29 = arith.constant 0 : i32
        %dma_start3A_30 = tpu.memref_slice %arg3[%add3A, %arg1, %dma_start3A_27, %dma_start3A_28, %dma_start3A_29] : memref<4x16x2x80x128xi32, #tpu.memory_space<hbm>> -> memref<1x1x2x80x128xi32, #tpu.memory_space<hbm>>
        %dma_start3A_31 = tpu.memref_squeeze %dma_start3A_30 : memref<1x1x2x80x128xi32, #tpu.memory_space<hbm>> -> memref<2x80x128xi32, #tpu.memory_space<hbm>>
        tpu.enqueue_dma source(%dma_start3A_31 : memref<2x80x128xi32, #tpu.memory_space<hbm>>) target(%arg5 : memref<2x80x128xi32, #tpu.memory_space<vmem>>) target_semaphore(%run_scoped3A : memref<!tpu.dma_semaphore, #tpu.memory_space<semaphore_mem>>)
        %dma_wait3A = arith.constant 0 : i32
        %dma_wait3A_32 = arith.constant 0 : i32
        %dma_wait3A_33 = arith.constant 0 : i32
        %dma_wait3A_34 = tpu.memref_slice %arg3[%add3A, %arg1, %dma_wait3A, %dma_wait3A_32, %dma_wait3A_33] : memref<4x16x2x80x128xi32, #tpu.memory_space<hbm>> -> memref<1x1x2x80x128xi32, #tpu.memory_space<hbm>>
        %dma_wait3A_35 = tpu.memref_squeeze %dma_wait3A_34 : memref<1x1x2x80x128xi32, #tpu.memory_space<hbm>> -> memref<2x80x128xi32, #tpu.memory_space<hbm>>
        %dma_wait3A_36 = arith.constant 0 : i32
        %dma_wait3A_37 = arith.constant 0 : i32
        %dma_wait3A_38 = arith.constant 0 : i32
        %dma_wait3A_39 = tpu.memref_slice %arg3[%add3A, %arg1, %dma_wait3A_36, %dma_wait3A_37, %dma_wait3A_38] : memref<4x16x2x80x128xi32, #tpu.memory_space<hbm>> -> memref<1x1x2x80x128xi32, #tpu.memory_space<hbm>>
        %dma_wait3A_40 = tpu.memref_squeeze %dma_wait3A_39 : memref<1x1x2x80x128xi32, #tpu.memory_space<hbm>> -> memref<2x80x128xi32, #tpu.memory_space<hbm>>
        tpu.wait_dma2 semaphore(%run_scoped3A : memref<!tpu.dma_semaphore, #tpu.memory_space<semaphore_mem>>) src(%dma_wait3A_40 : memref<2x80x128xi32, #tpu.memory_space<hbm>>) dst(%arg5 : memref<2x80x128xi32, #tpu.memory_space<vmem>>)
        tpu.yield
      }) : () -> ()
      "tpu.region"() ({
        %run_scoped3A = tpu.sem_alloc : memref<!tpu.dma_semaphore, #tpu.memory_space<semaphore_mem>>
        %dma_start3A = arith.constant 0 : i32
        %dma_start3A_23 = tpu.memref_slice %arg9[%multiple_of3A, %dma_start3A] : memref<10240x128xf32, #tpu.memory_space<vmem_shared>> -> memref<640x128xf32, #tpu.memory_space<vmem_shared>>
        %dma_start3A_24 = arith.constant 0 : i32
        %dma_start3A_25 = tpu.memref_slice %arg2[%add3A_12, %dma_start3A_24] : memref<40960x128xf32, #tpu.memory_space<hbm>> -> memref<640x128xf32, #tpu.memory_space<hbm>>
        tpu.enqueue_dma source(%dma_start3A_25 : memref<640x128xf32, #tpu.memory_space<hbm>>) target(%dma_start3A_23 : memref<640x128xf32, #tpu.memory_space<vmem_shared>>) target_semaphore(%run_scoped3A : memref<!tpu.dma_semaphore, #tpu.memory_space<semaphore_mem>>)
        %dma_wait3A = arith.constant 0 : i32
        %dma_wait3A_26 = tpu.memref_slice %arg9[%multiple_of3A, %dma_wait3A] : memref<10240x128xf32, #tpu.memory_space<vmem_shared>> -> memref<640x128xf32, #tpu.memory_space<vmem_shared>>
        %dma_wait3A_27 = arith.constant 0 : i32
        %dma_wait3A_28 = tpu.memref_slice %arg2[%add3A_12, %dma_wait3A_27] : memref<40960x128xf32, #tpu.memory_space<hbm>> -> memref<640x128xf32, #tpu.memory_space<hbm>>
        tpu.wait_dma2 semaphore(%run_scoped3A : memref<!tpu.dma_semaphore, #tpu.memory_space<semaphore_mem>>) src(%dma_wait3A_28 : memref<640x128xf32, #tpu.memory_space<hbm>>) dst(%dma_wait3A_26 : memref<640x128xf32, #tpu.memory_space<vmem_shared>>)
        tpu.yield
      }) : () -> ()
      %barrier3A = arith.constant 0 : index
      tpu.barrier barrier_id(%barrier3A)
      %scan3A_13 = arith.constant 0 : i32
      %scan3A_14 = arith.constant 0 : i32
      %scan3A_15 = arith.constant 1 : i32
      %scan3A_16 = arith.constant 0 : i32
      %scan3A_17 = arith.constant 80 : i32
      %scan3A_18 = arith.addi %scan3A_16, %scan3A_17 : i32
      %scan3A_19 = arith.constant 1 : i32
      scf.for %scan3A_23 = %scan3A_16 to %scan3A_18 step %scan3A_19  : i32 {
        %dma_start3A = arith.constant 0 : i32
        %dma_start3A_24 = arith.constant 0 : i32
        %dma_start3A_25 = tpu.memref_slice %arg5[%scan3A_14, %dma_start3A, %dma_start3A_24] : memref<2x80x128xi32, #tpu.memory_space<vmem>> -> memref<1x80x128xi32, #tpu.memory_space<vmem>>
        %dma_start3A_26 = tpu.memref_squeeze %dma_start3A_25 : memref<1x80x128xi32, #tpu.memory_space<vmem>> -> memref<80x128xi32, #tpu.memory_space<vmem>>
        %dma_start3A_27 = arith.constant 0 : i32
        %dma_start3A_28 = tpu.memref_slice %dma_start3A_26[%scan3A_23, %dma_start3A_27] : memref<80x128xi32, #tpu.memory_space<vmem>> -> memref<1x128xi32, #tpu.memory_space<vmem>>
        %dma_start3A_29 = tpu.memref_squeeze %dma_start3A_28 : memref<1x128xi32, #tpu.memory_space<vmem>> -> memref<128xi32, #tpu.memory_space<vmem>>
        %dma_start3A_30 = arith.constant 0 : i32
        %dma_start3A_31 = arith.constant 0 : i32
        %dma_start3A_32 = tpu.memref_slice %arg2[%dma_start3A_30, %dma_start3A_31] : memref<40960x128xf32, #tpu.memory_space<hbm>> -> memref<40960x128xf32, #tpu.memory_space<hbm>>
        tpu.enqueue_indirect_dma source(%dma_start3A_32 : memref<40960x128xf32, #tpu.memory_space<hbm>>) target(%arg6 : memref<128x128xf32, #tpu.memory_space<vmem>>) offsets(%dma_start3A_29 : memref<128xi32, #tpu.memory_space<vmem>>) semaphore(%arg7 : memref<!tpu.dma_semaphore, #tpu.memory_space<semaphore_mem>>)
        %dma_wait3A = arith.constant 0 : i32
        %dma_wait3A_33 = arith.constant 0 : i32
        %dma_wait3A_34 = tpu.memref_slice %arg5[%scan3A_14, %dma_wait3A, %dma_wait3A_33] : memref<2x80x128xi32, #tpu.memory_space<vmem>> -> memref<1x80x128xi32, #tpu.memory_space<vmem>>
        %dma_wait3A_35 = tpu.memref_squeeze %dma_wait3A_34 : memref<1x80x128xi32, #tpu.memory_space<vmem>> -> memref<80x128xi32, #tpu.memory_space<vmem>>
        %dma_wait3A_36 = arith.constant 0 : i32
        %dma_wait3A_37 = tpu.memref_slice %dma_wait3A_35[%scan3A_23, %dma_wait3A_36] : memref<80x128xi32, #tpu.memory_space<vmem>> -> memref<1x128xi32, #tpu.memory_space<vmem>>
        %dma_wait3A_38 = tpu.memref_squeeze %dma_wait3A_37 : memref<1x128xi32, #tpu.memory_space<vmem>> -> memref<128xi32, #tpu.memory_space<vmem>>
        %dma_wait3A_39 = arith.constant 0 : i32
        %dma_wait3A_40 = arith.constant 0 : i32
        %dma_wait3A_41 = tpu.memref_slice %arg2[%dma_wait3A_39, %dma_wait3A_40] : memref<40960x128xf32, #tpu.memory_space<hbm>> -> memref<40960x128xf32, #tpu.memory_space<hbm>>
        tpu.wait_indirect_dma semaphore(%arg7 : memref<!tpu.dma_semaphore, #tpu.memory_space<semaphore_mem>>) src(%dma_wait3A_41 : memref<40960x128xf32, #tpu.memory_space<hbm>>) dst(%arg6 : memref<128x128xf32, #tpu.memory_space<vmem>>)
        "tpu.region"() ({
          %run_scoped3A = tpu.sem_alloc : memref<!tpu.dma_semaphore, #tpu.memory_space<semaphore_mem>>
          %dma_start3A_42 = arith.constant 0 : i32
          %dma_start3A_43 = arith.constant 0 : i32
          %dma_start3A_44 = tpu.memref_slice %arg5[%scan3A_15, %dma_start3A_42, %dma_start3A_43] : memref<2x80x128xi32, #tpu.memory_space<vmem>> -> memref<1x80x128xi32, #tpu.memory_space<vmem>>
          %dma_start3A_45 = tpu.memref_squeeze %dma_start3A_44 : memref<1x80x128xi32, #tpu.memory_space<vmem>> -> memref<80x128xi32, #tpu.memory_space<vmem>>
          %dma_start3A_46 = arith.constant 0 : i32
          %dma_start3A_47 = tpu.memref_slice %dma_start3A_45[%scan3A_23, %dma_start3A_46] : memref<80x128xi32, #tpu.memory_space<vmem>> -> memref<1x128xi32, #tpu.memory_space<vmem>>
          %dma_start3A_48 = tpu.memref_squeeze %dma_start3A_47 : memref<1x128xi32, #tpu.memory_space<vmem>> -> memref<128xi32, #tpu.memory_space<vmem>>
          %dma_start3A_49 = arith.constant 0 : i32
          %dma_start3A_50 = arith.constant 0 : i32
          %dma_start3A_51 = tpu.memref_slice %arg9[%dma_start3A_49, %dma_start3A_50] : memref<10240x128xf32, #tpu.memory_space<vmem_shared>> -> memref<10240x128xf32, #tpu.memory_space<vmem_shared>>
          tpu.enqueue_indirect_dma source(%arg6 : memref<128x128xf32, #tpu.memory_space<vmem>>) target(%dma_start3A_51 : memref<10240x128xf32, #tpu.memory_space<vmem_shared>>) offsets(%dma_start3A_48 : memref<128xi32, #tpu.memory_space<vmem>>) semaphore(%run_scoped3A : memref<!tpu.dma_semaphore, #tpu.memory_space<semaphore_mem>>) {add = true}
          %dma_wait3A_52 = arith.constant 0 : i32
          %dma_wait3A_53 = arith.constant 0 : i32
          %dma_wait3A_54 = tpu.memref_slice %arg5[%scan3A_15, %dma_wait3A_52, %dma_wait3A_53] : memref<2x80x128xi32, #tpu.memory_space<vmem>> -> memref<1x80x128xi32, #tpu.memory_space<vmem>>
          %dma_wait3A_55 = tpu.memref_squeeze %dma_wait3A_54 : memref<1x80x128xi32, #tpu.memory_space<vmem>> -> memref<80x128xi32, #tpu.memory_space<vmem>>
          %dma_wait3A_56 = arith.constant 0 : i32
          %dma_wait3A_57 = tpu.memref_slice %dma_wait3A_55[%scan3A_23, %dma_wait3A_56] : memref<80x128xi32, #tpu.memory_space<vmem>> -> memref<1x128xi32, #tpu.memory_space<vmem>>
          %dma_wait3A_58 = tpu.memref_squeeze %dma_wait3A_57 : memref<1x128xi32, #tpu.memory_space<vmem>> -> memref<128xi32, #tpu.memory_space<vmem>>
          %dma_wait3A_59 = arith.constant 0 : i32
          %dma_wait3A_60 = arith.constant 0 : i32
          %dma_wait3A_61 = tpu.memref_slice %arg9[%dma_wait3A_59, %dma_wait3A_60] : memref<10240x128xf32, #tpu.memory_space<vmem_shared>> -> memref<10240x128xf32, #tpu.memory_space<vmem_shared>>
          tpu.wait_indirect_dma semaphore(%run_scoped3A : memref<!tpu.dma_semaphore, #tpu.memory_space<semaphore_mem>>) src(%arg6 : memref<128x128xf32, #tpu.memory_space<vmem>>) dst(%dma_wait3A_61 : memref<10240x128xf32, #tpu.memory_space<vmem_shared>>)
          tpu.yield
        }) : () -> ()
      }
      %scan3A_20 = arith.constant 80 : i32
      %barrier3A_21 = arith.constant 0 : index
      tpu.barrier barrier_id(%barrier3A_21)
      "tpu.region"() ({
        %run_scoped3A = tpu.sem_alloc : memref<!tpu.dma_semaphore, #tpu.memory_space<semaphore_mem>>
        %dma_start3A = arith.constant 0 : i32
        %dma_start3A_23 = tpu.memref_slice %arg4[%add3A_12, %dma_start3A] : memref<40960x128xf32, #tpu.memory_space<hbm>> -> memref<640x128xf32, #tpu.memory_space<hbm>>
        %dma_start3A_24 = arith.constant 0 : i32
        %dma_start3A_25 = tpu.memref_slice %arg9[%multiple_of3A, %dma_start3A_24] : memref<10240x128xf32, #tpu.memory_space<vmem_shared>> -> memref<640x128xf32, #tpu.memory_space<vmem_shared>>
        tpu.enqueue_dma source(%dma_start3A_25 : memref<640x128xf32, #tpu.memory_space<vmem_shared>>) target(%dma_start3A_23 : memref<640x128xf32, #tpu.memory_space<hbm>>) target_semaphore(%run_scoped3A : memref<!tpu.dma_semaphore, #tpu.memory_space<semaphore_mem>>)
        %dma_wait3A = arith.constant 0 : i32
        %dma_wait3A_26 = tpu.memref_slice %arg4[%add3A_12, %dma_wait3A] : memref<40960x128xf32, #tpu.memory_space<hbm>> -> memref<640x128xf32, #tpu.memory_space<hbm>>
        %dma_wait3A_27 = arith.constant 0 : i32
        %dma_wait3A_28 = tpu.memref_slice %arg9[%multiple_of3A, %dma_wait3A_27] : memref<10240x128xf32, #tpu.memory_space<vmem_shared>> -> memref<640x128xf32, #tpu.memory_space<vmem_shared>>
        tpu.wait_dma2 semaphore(%run_scoped3A : memref<!tpu.dma_semaphore, #tpu.memory_space<semaphore_mem>>) src(%dma_wait3A_28 : memref<640x128xf32, #tpu.memory_space<vmem_shared>>) dst(%dma_wait3A_26 : memref<640x128xf32, #tpu.memory_space<hbm>>)
        tpu.yield
      }) : () -> ()
      %barrier3A_22 = arith.constant 0 : index
      tpu.barrier barrier_id(%barrier3A_22)
    }
    %scan3A_5 = arith.constant 2 : i32
    return
  }
}

module attributes {stable_mosaic.version = 14 : i64} {
  func.func @_tc1_body(%arg0: i32, %arg1: memref<1280x256xf32, #tpu.memory_space<vmem>>, %arg2: memref<2x1280x1xf32, #tpu.memory_space<vmem>>, %arg3: memref<256x512xf32, #tpu.memory_space<vmem>>, %arg4: memref<4x1280x128xf32, #tpu.memory_space<vmem>>, %arg5: memref<1280x1xf32, #tpu.memory_space<vmem>>) attributes {dimension_semantics = [#tpu.dimension_semantics<arbitrary>], iteration_bounds = array<i64: 8>, scalar_prefetch = 0 : i64, scratch_operands = 0 : i64, tpu.core_type = #tpu.core_type<tc>, window_params = [{transform_indices = @transform_0, window_bounds = array<i64: 1280, 256>}, {transform_indices = @transform_1, window_bounds = array<i64: 2, 1280, 1>}, {pipeline_mode = #tpu.pipeline_mode<synchronous>, transform_indices = @transform_2, window_bounds = array<i64: 256, 512>}, {transform_indices = @transform_3, window_bounds = array<i64: 4, 1280, 128>}, {transform_indices = @transform_4, window_bounds = array<i64: 1280, 1>}]} {
    %get3A = arith.constant 0 : index
    %get3A_0 = arith.constant 0 : index
    %get3A_1 = arith.constant 0 : index
    %get3A_2 = vector.load %arg2[%get3A, %get3A_0, %get3A_1] : memref<2x1280x1xf32, #tpu.memory_space<vmem>>, vector<1x1280x1xf32>
    %get3A_3 = vector.shape_cast %get3A_2 : vector<1x1280x1xf32> to vector<1280x1xf32>
    %get3A_4 = arith.constant 1 : index
    %get3A_5 = arith.constant 0 : index
    %get3A_6 = arith.constant 0 : index
    %get3A_7 = vector.load %arg2[%get3A_4, %get3A_5, %get3A_6] : memref<2x1280x1xf32, #tpu.memory_space<vmem>>, vector<1x1280x1xf32>
    %get3A_8 = vector.shape_cast %get3A_7 : vector<1x1280x1xf32> to vector<1280x1xf32>
    %add3A = arith.addf %get3A_3, %get3A_8 : vector<1280x1xf32>
    %sub3A = arith.constant 1.000000e+00 : f32
    %sub3A_9 = vector.broadcast %sub3A : f32 to vector<1280x1xf32>
    %sub3A_10 = arith.subf %add3A, %sub3A_9 : vector<1280x1xf32>
    %rsqrt3A = math.rsqrt %sub3A_10 : vector<1280x1xf32>
    %swap3A = arith.constant 0 : index
    %swap3A_11 = arith.constant 0 : index
    %swap3A_12 = vector.load %arg5[%swap3A, %swap3A_11] : memref<1280x1xf32, #tpu.memory_space<vmem>>, vector<1280x1xf32>
    tpu.vector_store %arg5[%swap3A, %swap3A_11], %rsqrt3A {strides = array<i32>} : memref<1280x1xf32, #tpu.memory_space<vmem>>, vector<1280x1xf32>,
    %get3A_13 = arith.constant 0 : index
    %get3A_14 = arith.constant 0 : index
    %get3A_15 = vector.load %arg1[%get3A_13, %get3A_14] : memref<1280x256xf32, #tpu.memory_space<vmem>>, vector<1280x256xf32>
    %get3A_16 = arith.constant 0 : index
    %get3A_17 = arith.constant 0 : index
    %get3A_18 = vector.load %arg3[%get3A_16, %get3A_17] : memref<256x512xf32, #tpu.memory_space<vmem>>, vector<256x512xf32>
    %dot_general3A = arith.constant dense<0.000000e+00> : vector<1280x512xf32>
    %dot_general3A_19 = tpu.matmul %get3A_15, %get3A_18, %dot_general3A {dimension_numbers = #tpu.dot_dimension_numbers<[1], [0], [0], [1], [0, 0, 1, 1], [], []>, transpose_lhs_hint = false} : vector<1280x256xf32>, vector<256x512xf32>, vector<1280x512xf32> -> vector<1280x512xf32>
    %mul3A = vector.broadcast %rsqrt3A : vector<1280x1xf32> to vector<1280x512xf32>
    %mul3A_20 = arith.mulf %dot_general3A_19, %mul3A : vector<1280x512xf32>
    %slice3A = vector.extract_strided_slice %mul3A_20 {offsets = [0, 0], sizes = [1280, 128], strides = [1, 1]} : vector<1280x512xf32> to vector<1280x128xf32>
    %swap3A_21 = arith.constant 0 : index
    %swap3A_22 = arith.constant 0 : index
    %swap3A_23 = arith.constant 0 : index
    %swap3A_24 = vector.load %arg4[%swap3A_21, %swap3A_22, %swap3A_23] : memref<4x1280x128xf32, #tpu.memory_space<vmem>>, vector<1x1280x128xf32>
    %swap3A_25 = vector.shape_cast %swap3A_24 : vector<1x1280x128xf32> to vector<1280x128xf32>
    %swap3A_26 = vector.shape_cast %slice3A : vector<1280x128xf32> to vector<1x1280x128xf32>
    tpu.vector_store %arg4[%swap3A_21, %swap3A_22, %swap3A_23], %swap3A_26 {strides = array<i32>} : memref<4x1280x128xf32, #tpu.memory_space<vmem>>, vector<1x1280x128xf32>,
    %slice3A_27 = vector.extract_strided_slice %mul3A_20 {offsets = [0, 128], sizes = [1280, 128], strides = [1, 1]} : vector<1280x512xf32> to vector<1280x128xf32>
    %swap3A_28 = arith.constant 1 : index
    %swap3A_29 = arith.constant 0 : index
    %swap3A_30 = arith.constant 0 : index
    %swap3A_31 = vector.load %arg4[%swap3A_28, %swap3A_29, %swap3A_30] : memref<4x1280x128xf32, #tpu.memory_space<vmem>>, vector<1x1280x128xf32>
    %swap3A_32 = vector.shape_cast %swap3A_31 : vector<1x1280x128xf32> to vector<1280x128xf32>
    %swap3A_33 = vector.shape_cast %slice3A_27 : vector<1280x128xf32> to vector<1x1280x128xf32>
    tpu.vector_store %arg4[%swap3A_28, %swap3A_29, %swap3A_30], %swap3A_33 {strides = array<i32>} : memref<4x1280x128xf32, #tpu.memory_space<vmem>>, vector<1x1280x128xf32>,
    %slice3A_34 = vector.extract_strided_slice %mul3A_20 {offsets = [0, 256], sizes = [1280, 128], strides = [1, 1]} : vector<1280x512xf32> to vector<1280x128xf32>
    %swap3A_35 = arith.constant 2 : index
    %swap3A_36 = arith.constant 0 : index
    %swap3A_37 = arith.constant 0 : index
    %swap3A_38 = vector.load %arg4[%swap3A_35, %swap3A_36, %swap3A_37] : memref<4x1280x128xf32, #tpu.memory_space<vmem>>, vector<1x1280x128xf32>
    %swap3A_39 = vector.shape_cast %swap3A_38 : vector<1x1280x128xf32> to vector<1280x128xf32>
    %swap3A_40 = vector.shape_cast %slice3A_34 : vector<1280x128xf32> to vector<1x1280x128xf32>
    tpu.vector_store %arg4[%swap3A_35, %swap3A_36, %swap3A_37], %swap3A_40 {strides = array<i32>} : memref<4x1280x128xf32, #tpu.memory_space<vmem>>, vector<1x1280x128xf32>,
    %slice3A_41 = vector.extract_strided_slice %mul3A_20 {offsets = [0, 384], sizes = [1280, 128], strides = [1, 1]} : vector<1280x512xf32> to vector<1280x128xf32>
    %swap3A_42 = arith.constant 3 : index
    %swap3A_43 = arith.constant 0 : index
    %swap3A_44 = arith.constant 0 : index
    %swap3A_45 = vector.load %arg4[%swap3A_42, %swap3A_43, %swap3A_44] : memref<4x1280x128xf32, #tpu.memory_space<vmem>>, vector<1x1280x128xf32>
    %swap3A_46 = vector.shape_cast %swap3A_45 : vector<1x1280x128xf32> to vector<1280x128xf32>
    %swap3A_47 = vector.shape_cast %slice3A_41 : vector<1280x128xf32> to vector<1x1280x128xf32>
    tpu.vector_store %arg4[%swap3A_42, %swap3A_43, %swap3A_44], %swap3A_47 {strides = array<i32>} : memref<4x1280x128xf32, #tpu.memory_space<vmem>>, vector<1x1280x128xf32>,
    return
  }
  func.func @transform_0(%arg0: i32) -> (i32, i32) {
    %c0_i32 = arith.constant 0 : i32
    %c0_i32_0 = arith.constant 0 : i32
    return %arg0, %c0_i32 : i32, i32
  }
  func.func @transform_1(%arg0: i32) -> (i32, i32, i32) {
    %c0_i32 = arith.constant 0 : i32
    %c0_i32_0 = arith.constant 0 : i32
    %c0_i32_1 = arith.constant 0 : i32
    return %c0_i32, %arg0, %c0_i32_0 : i32, i32, i32
  }
  func.func @transform_2(%arg0: i32) -> (i32, i32) {
    %c0_i32 = arith.constant 0 : i32
    %c0_i32_0 = arith.constant 0 : i32
    %c0_i32_1 = arith.constant 0 : i32
    return %c0_i32, %c0_i32_0 : i32, i32
  }
  func.func @transform_3(%arg0: i32) -> (i32, i32, i32) {
    %c0_i32 = arith.constant 0 : i32
    %c0_i32_0 = arith.constant 0 : i32
    %c0_i32_1 = arith.constant 0 : i32
    return %c0_i32, %arg0, %c0_i32_0 : i32, i32, i32
  }
  func.func @transform_4(%arg0: i32) -> (i32, i32) {
    %c0_i32 = arith.constant 0 : i32
    %c0_i32_0 = arith.constant 0 : i32
    return %arg0, %c0_i32 : i32, i32
  }
}

module attributes {stable_mosaic.version = 14 : i64} {
  func.func @_tc2_body(%arg0: i32, %arg1: memref<4x1280x128xf32, #tpu.memory_space<vmem>>, %arg2: memref<1280x1xf32, #tpu.memory_space<vmem>>, %arg3: memref<1x512xf32, #tpu.memory_space<vmem>>, %arg4: memref<512x512xf32, #tpu.memory_space<vmem>>, %arg5: memref<4x1280x128xf32, #tpu.memory_space<vmem>>) attributes {dimension_semantics = [#tpu.dimension_semantics<arbitrary>], iteration_bounds = array<i64: 8>, scalar_prefetch = 0 : i64, scratch_operands = 0 : i64, tpu.core_type = #tpu.core_type<tc>, window_params = [{transform_indices = @transform_0, window_bounds = array<i64: 4, 1280, 128>}, {transform_indices = @transform_1, window_bounds = array<i64: 1280, 1>}, {pipeline_mode = #tpu.pipeline_mode<synchronous>, transform_indices = @transform_2, window_bounds = array<i64: 1, 512>}, {pipeline_mode = #tpu.pipeline_mode<synchronous>, transform_indices = @transform_3, window_bounds = array<i64: 512, 512>}, {transform_indices = @transform_4, window_bounds = array<i64: 4, 1280, 128>}]} {
    %get3A = arith.constant 0 : index
    %get3A_0 = arith.constant 0 : index
    %get3A_1 = arith.constant 0 : index
    %get3A_2 = vector.load %arg1[%get3A, %get3A_0, %get3A_1] : memref<4x1280x128xf32, #tpu.memory_space<vmem>>, vector<1x1280x128xf32>
    %get3A_3 = vector.shape_cast %get3A_2 : vector<1x1280x128xf32> to vector<1280x128xf32>
    %get3A_4 = arith.constant 1 : index
    %get3A_5 = arith.constant 0 : index
    %get3A_6 = arith.constant 0 : index
    %get3A_7 = vector.load %arg1[%get3A_4, %get3A_5, %get3A_6] : memref<4x1280x128xf32, #tpu.memory_space<vmem>>, vector<1x1280x128xf32>
    %get3A_8 = vector.shape_cast %get3A_7 : vector<1x1280x128xf32> to vector<1280x128xf32>
    %get3A_9 = arith.constant 2 : index
    %get3A_10 = arith.constant 0 : index
    %get3A_11 = arith.constant 0 : index
    %get3A_12 = vector.load %arg1[%get3A_9, %get3A_10, %get3A_11] : memref<4x1280x128xf32, #tpu.memory_space<vmem>>, vector<1x1280x128xf32>
    %get3A_13 = vector.shape_cast %get3A_12 : vector<1x1280x128xf32> to vector<1280x128xf32>
    %get3A_14 = arith.constant 3 : index
    %get3A_15 = arith.constant 0 : index
    %get3A_16 = arith.constant 0 : index
    %get3A_17 = vector.load %arg1[%get3A_14, %get3A_15, %get3A_16] : memref<4x1280x128xf32, #tpu.memory_space<vmem>>, vector<1x1280x128xf32>
    %get3A_18 = vector.shape_cast %get3A_17 : vector<1x1280x128xf32> to vector<1280x128xf32>
    %concatenate3A = tpu.concatenate %get3A_3, %get3A_8, %get3A_13, %get3A_18 in 1 : vector<1280x128xf32>, vector<1280x128xf32>, vector<1280x128xf32>, vector<1280x128xf32> -> vector<1280x512xf32>
    %get3A_19 = arith.constant 0 : index
    %get3A_20 = arith.constant 0 : index
    %get3A_21 = vector.load %arg2[%get3A_19, %get3A_20] : memref<1280x1xf32, #tpu.memory_space<vmem>>, vector<1280x1xf32>
    %mul3A = vector.broadcast %get3A_21 : vector<1280x1xf32> to vector<1280x512xf32>
    %mul3A_22 = arith.mulf %concatenate3A, %mul3A : vector<1280x512xf32>
    %get3A_23 = arith.constant 0 : index
    %get3A_24 = arith.constant 0 : index
    %get3A_25 = vector.load %arg3[%get3A_23, %get3A_24] : memref<1x512xf32, #tpu.memory_space<vmem>>, vector<1x512xf32>
    %add3A = vector.broadcast %get3A_25 : vector<1x512xf32> to vector<1280x512xf32>
    %add3A_26 = arith.addf %mul3A_22, %add3A : vector<1280x512xf32>
    %max3A = arith.constant 0.000000e+00 : f32
    %max3A_27 = vector.broadcast %max3A : f32 to vector<1280x512xf32>
    %max3A_28 = arith.maximumf %add3A_26, %max3A_27 : vector<1280x512xf32>
    %get3A_29 = arith.constant 0 : index
    %get3A_30 = arith.constant 0 : index
    %get3A_31 = vector.load %arg4[%get3A_29, %get3A_30] : memref<512x512xf32, #tpu.memory_space<vmem>>, vector<512x512xf32>
    %dot_general3A = arith.constant dense<0.000000e+00> : vector<1280x512xf32>
    %dot_general3A_32 = tpu.matmul %max3A_28, %get3A_31, %dot_general3A {dimension_numbers = #tpu.dot_dimension_numbers<[1], [0], [0], [1], [0, 0, 1, 1], [], []>, transpose_lhs_hint = false} : vector<1280x512xf32>, vector<512x512xf32>, vector<1280x512xf32> -> vector<1280x512xf32>
    %get3A_33 = arith.constant 0 : index
    %get3A_34 = arith.constant 0 : index
    %get3A_35 = vector.load %arg2[%get3A_33, %get3A_34] : memref<1280x1xf32, #tpu.memory_space<vmem>>, vector<1280x1xf32>
    %mul3A_36 = vector.broadcast %get3A_35 : vector<1280x1xf32> to vector<1280x512xf32>
    %mul3A_37 = arith.mulf %dot_general3A_32, %mul3A_36 : vector<1280x512xf32>
    %slice3A = vector.extract_strided_slice %mul3A_37 {offsets = [0, 0], sizes = [1280, 128], strides = [1, 1]} : vector<1280x512xf32> to vector<1280x128xf32>
    %swap3A = arith.constant 0 : index
    %swap3A_38 = arith.constant 0 : index
    %swap3A_39 = arith.constant 0 : index
    %swap3A_40 = vector.load %arg5[%swap3A, %swap3A_38, %swap3A_39] : memref<4x1280x128xf32, #tpu.memory_space<vmem>>, vector<1x1280x128xf32>
    %swap3A_41 = vector.shape_cast %swap3A_40 : vector<1x1280x128xf32> to vector<1280x128xf32>
    %swap3A_42 = vector.shape_cast %slice3A : vector<1280x128xf32> to vector<1x1280x128xf32>
    tpu.vector_store %arg5[%swap3A, %swap3A_38, %swap3A_39], %swap3A_42 {strides = array<i32>} : memref<4x1280x128xf32, #tpu.memory_space<vmem>>, vector<1x1280x128xf32>,
    %slice3A_43 = vector.extract_strided_slice %mul3A_37 {offsets = [0, 128], sizes = [1280, 128], strides = [1, 1]} : vector<1280x512xf32> to vector<1280x128xf32>
    %swap3A_44 = arith.constant 1 : index
    %swap3A_45 = arith.constant 0 : index
    %swap3A_46 = arith.constant 0 : index
    %swap3A_47 = vector.load %arg5[%swap3A_44, %swap3A_45, %swap3A_46] : memref<4x1280x128xf32, #tpu.memory_space<vmem>>, vector<1x1280x128xf32>
    %swap3A_48 = vector.shape_cast %swap3A_47 : vector<1x1280x128xf32> to vector<1280x128xf32>
    %swap3A_49 = vector.shape_cast %slice3A_43 : vector<1280x128xf32> to vector<1x1280x128xf32>
    tpu.vector_store %arg5[%swap3A_44, %swap3A_45, %swap3A_46], %swap3A_49 {strides = array<i32>} : memref<4x1280x128xf32, #tpu.memory_space<vmem>>, vector<1x1280x128xf32>,
    %slice3A_50 = vector.extract_strided_slice %mul3A_37 {offsets = [0, 256], sizes = [1280, 128], strides = [1, 1]} : vector<1280x512xf32> to vector<1280x128xf32>
    %swap3A_51 = arith.constant 2 : index
    %swap3A_52 = arith.constant 0 : index
    %swap3A_53 = arith.constant 0 : index
    %swap3A_54 = vector.load %arg5[%swap3A_51, %swap3A_52, %swap3A_53] : memref<4x1280x128xf32, #tpu.memory_space<vmem>>, vector<1x1280x128xf32>
    %swap3A_55 = vector.shape_cast %swap3A_54 : vector<1x1280x128xf32> to vector<1280x128xf32>
    %swap3A_56 = vector.shape_cast %slice3A_50 : vector<1280x128xf32> to vector<1x1280x128xf32>
    tpu.vector_store %arg5[%swap3A_51, %swap3A_52, %swap3A_53], %swap3A_56 {strides = array<i32>} : memref<4x1280x128xf32, #tpu.memory_space<vmem>>, vector<1x1280x128xf32>,
    %slice3A_57 = vector.extract_strided_slice %mul3A_37 {offsets = [0, 384], sizes = [1280, 128], strides = [1, 1]} : vector<1280x512xf32> to vector<1280x128xf32>
    %swap3A_58 = arith.constant 3 : index
    %swap3A_59 = arith.constant 0 : index
    %swap3A_60 = arith.constant 0 : index
    %swap3A_61 = vector.load %arg5[%swap3A_58, %swap3A_59, %swap3A_60] : memref<4x1280x128xf32, #tpu.memory_space<vmem>>, vector<1x1280x128xf32>
    %swap3A_62 = vector.shape_cast %swap3A_61 : vector<1x1280x128xf32> to vector<1280x128xf32>
    %swap3A_63 = vector.shape_cast %slice3A_57 : vector<1280x128xf32> to vector<1x1280x128xf32>
    tpu.vector_store %arg5[%swap3A_58, %swap3A_59, %swap3A_60], %swap3A_63 {strides = array<i32>} : memref<4x1280x128xf32, #tpu.memory_space<vmem>>, vector<1x1280x128xf32>,
    return
  }
  func.func @transform_0(%arg0: i32) -> (i32, i32, i32) {
    %c0_i32 = arith.constant 0 : i32
    %c0_i32_0 = arith.constant 0 : i32
    %c0_i32_1 = arith.constant 0 : i32
    return %c0_i32, %arg0, %c0_i32_0 : i32, i32, i32
  }
  func.func @transform_1(%arg0: i32) -> (i32, i32) {
    %c0_i32 = arith.constant 0 : i32
    %c0_i32_0 = arith.constant 0 : i32
    return %arg0, %c0_i32 : i32, i32
  }
  func.func @transform_2(%arg0: i32) -> (i32, i32) {
    %c0_i32 = arith.constant 0 : i32
    %c0_i32_0 = arith.constant 0 : i32
    %c0_i32_1 = arith.constant 0 : i32
    return %c0_i32, %c0_i32_0 : i32, i32
  }
  func.func @transform_3(%arg0: i32) -> (i32, i32) {
    %c0_i32 = arith.constant 0 : i32
    %c0_i32_0 = arith.constant 0 : i32
    %c0_i32_1 = arith.constant 0 : i32
    return %c0_i32, %c0_i32_0 : i32, i32
  }
  func.func @transform_4(%arg0: i32) -> (i32, i32, i32) {
    %c0_i32 = arith.constant 0 : i32
    %c0_i32_0 = arith.constant 0 : i32
    %c0_i32_1 = arith.constant 0 : i32
    return %c0_i32, %arg0, %c0_i32_0 : i32, i32, i32
  }
}

module attributes {stable_mosaic.version = 14 : i64} {
  func.func @_tc3_body(%arg0: i32, %arg1: memref<4x1280x128xf32, #tpu.memory_space<vmem>>, %arg2: memref<1280x1xf32, #tpu.memory_space<vmem>>, %arg3: memref<1x512xf32, #tpu.memory_space<vmem>>, %arg4: memref<1280x1xi32, #tpu.memory_space<vmem>>, %arg5: memref<512x1xf32, #tpu.memory_space<vmem>>, %arg6: memref<1x1xf32, #tpu.memory_space<vmem>>, %arg7: memref<64x1xf32, #tpu.memory_space<vmem>>) attributes {dimension_semantics = [#tpu.dimension_semantics<arbitrary>], iteration_bounds = array<i64: 8>, scalar_prefetch = 0 : i64, scratch_operands = 0 : i64, tpu.core_type = #tpu.core_type<tc>, window_params = [{transform_indices = @transform_0, window_bounds = array<i64: 4, 1280, 128>}, {transform_indices = @transform_1, window_bounds = array<i64: 1280, 1>}, {pipeline_mode = #tpu.pipeline_mode<synchronous>, transform_indices = @transform_2, window_bounds = array<i64: 1, 512>}, {transform_indices = @transform_3, window_bounds = array<i64: 1280, 1>}, {pipeline_mode = #tpu.pipeline_mode<synchronous>, transform_indices = @transform_4, window_bounds = array<i64: 512, 1>}, {pipeline_mode = #tpu.pipeline_mode<synchronous>, transform_indices = @transform_5, window_bounds = array<i64: 1, 1>}, {pipeline_mode = #tpu.pipeline_mode<synchronous>, transform_indices = @transform_6, window_bounds = array<i64: 64, 1>}]} {
    %get3A = arith.constant 0 : index
    %get3A_0 = arith.constant 0 : index
    %get3A_1 = arith.constant 0 : index
    %get3A_2 = vector.load %arg1[%get3A, %get3A_0, %get3A_1] : memref<4x1280x128xf32, #tpu.memory_space<vmem>>, vector<1x1280x128xf32>
    %get3A_3 = vector.shape_cast %get3A_2 : vector<1x1280x128xf32> to vector<1280x128xf32>
    %get3A_4 = arith.constant 1 : index
    %get3A_5 = arith.constant 0 : index
    %get3A_6 = arith.constant 0 : index
    %get3A_7 = vector.load %arg1[%get3A_4, %get3A_5, %get3A_6] : memref<4x1280x128xf32, #tpu.memory_space<vmem>>, vector<1x1280x128xf32>
    %get3A_8 = vector.shape_cast %get3A_7 : vector<1x1280x128xf32> to vector<1280x128xf32>
    %get3A_9 = arith.constant 2 : index
    %get3A_10 = arith.constant 0 : index
    %get3A_11 = arith.constant 0 : index
    %get3A_12 = vector.load %arg1[%get3A_9, %get3A_10, %get3A_11] : memref<4x1280x128xf32, #tpu.memory_space<vmem>>, vector<1x1280x128xf32>
    %get3A_13 = vector.shape_cast %get3A_12 : vector<1x1280x128xf32> to vector<1280x128xf32>
    %get3A_14 = arith.constant 3 : index
    %get3A_15 = arith.constant 0 : index
    %get3A_16 = arith.constant 0 : index
    %get3A_17 = vector.load %arg1[%get3A_14, %get3A_15, %get3A_16] : memref<4x1280x128xf32, #tpu.memory_space<vmem>>, vector<1x1280x128xf32>
    %get3A_18 = vector.shape_cast %get3A_17 : vector<1x1280x128xf32> to vector<1280x128xf32>
    %concatenate3A = tpu.concatenate %get3A_3, %get3A_8, %get3A_13, %get3A_18 in 1 : vector<1280x128xf32>, vector<1280x128xf32>, vector<1280x128xf32>, vector<1280x128xf32> -> vector<1280x512xf32>
    %get3A_19 = arith.constant 0 : index
    %get3A_20 = arith.constant 0 : index
    %get3A_21 = vector.load %arg2[%get3A_19, %get3A_20] : memref<1280x1xf32, #tpu.memory_space<vmem>>, vector<1280x1xf32>
    %mul3A = vector.broadcast %get3A_21 : vector<1280x1xf32> to vector<1280x512xf32>
    %mul3A_22 = arith.mulf %concatenate3A, %mul3A : vector<1280x512xf32>
    %get3A_23 = arith.constant 0 : index
    %get3A_24 = arith.constant 0 : index
    %get3A_25 = vector.load %arg3[%get3A_23, %get3A_24] : memref<1x512xf32, #tpu.memory_space<vmem>>, vector<1x512xf32>
    %add3A = vector.broadcast %get3A_25 : vector<1x512xf32> to vector<1280x512xf32>
    %add3A_26 = arith.addf %mul3A_22, %add3A : vector<1280x512xf32>
    %max3A = arith.constant 0.000000e+00 : f32
    %max3A_27 = vector.broadcast %max3A : f32 to vector<1280x512xf32>
    %max3A_28 = arith.maximumf %add3A_26, %max3A_27 : vector<1280x512xf32>
    %get3A_29 = arith.constant 0 : index
    %get3A_30 = arith.constant 0 : index
    %get3A_31 = vector.load %arg5[%get3A_29, %get3A_30] : memref<512x1xf32, #tpu.memory_space<vmem>>, vector<512x1xf32>
    %dot_general3A = arith.constant dense<0.000000e+00> : vector<1280x1xf32>
    %dot_general3A_32 = tpu.matmul %max3A_28, %get3A_31, %dot_general3A {dimension_numbers = #tpu.dot_dimension_numbers<[1], [0], [0], [1], [0, 0, 1, 1], [], []>, transpose_lhs_hint = false} : vector<1280x512xf32>, vector<512x1xf32>, vector<1280x1xf32> -> vector<1280x1xf32>
    %iota3A = tpu.iota {dimensions = array<i32: 1>} : vector<1280x64xi32>
    %get3A_33 = arith.constant 0 : index
    %get3A_34 = arith.constant 0 : index
    %get3A_35 = vector.load %arg4[%get3A_33, %get3A_34] : memref<1280x1xi32, #tpu.memory_space<vmem>>, vector<1280x1xi32>
    %eq3A = vector.broadcast %get3A_35 : vector<1280x1xi32> to vector<1280x64xi32>
    %eq3A_36 = arith.cmpi eq, %eq3A, %iota3A : vector<1280x64xi32>
    %convert_element_type3A = arith.extui %eq3A_36 : vector<1280x64xi1> to vector<1280x64xi32>
    %convert_element_type3A_37 = arith.sitofp %convert_element_type3A : vector<1280x64xi32> to vector<1280x64xf32>
    %mul3A_38 = vector.broadcast %dot_general3A_32 : vector<1280x1xf32> to vector<1280x64xf32>
    %mul3A_39 = arith.mulf %convert_element_type3A_37, %mul3A_38 : vector<1280x64xf32>
    %reduce_sum3A = arith.constant dense<0.000000e+00> : vector<64xf32>
    %reduce_sum3A_40 = vector.multi_reduction <add>, %mul3A_39, %reduce_sum3A [0] : vector<1280x64xf32> to vector<64xf32>
    %reshape3A = vector.shape_cast %reduce_sum3A_40 : vector<64xf32> to vector<64x1xf32>
    %eq3A_41 = arith.constant 0 : i32
    %eq3A_42 = arith.cmpi eq, %arg0, %eq3A_41 : i32
    %convert_element_type3A_43 = arith.extui %eq3A_42 : i1 to i32
    %cond3A = arith.constant 0 : i32
    %cond3A_44 = arith.cmpi ne, %convert_element_type3A_43, %cond3A : i32
    scf.if %cond3A_44 {
      %get3A_49 = arith.constant 0 : index
      %get3A_50 = arith.constant 0 : index
      %get3A_51 = vector.load %arg6[%get3A_49, %get3A_50] : memref<1x1xf32, #tpu.memory_space<vmem>>, vector<1x1xf32>
      %add3A_52 = vector.broadcast %get3A_51 : vector<1x1xf32> to vector<64x1xf32>
      %add3A_53 = arith.addf %reshape3A, %add3A_52 : vector<64x1xf32>
      %swap3A = arith.constant 0 : index
      %swap3A_54 = arith.constant 0 : index
      %swap3A_55 = vector.load %arg7[%swap3A, %swap3A_54] : memref<64x1xf32, #tpu.memory_space<vmem>>, vector<64x1xf32>
      tpu.vector_store %arg7[%swap3A, %swap3A_54], %add3A_53 {strides = array<i32>} : memref<64x1xf32, #tpu.memory_space<vmem>>, vector<64x1xf32>,
    } else {
    }
    %gt3A = arith.constant 0 : i32
    %gt3A_45 = arith.cmpi sgt, %arg0, %gt3A : i32
    %convert_element_type3A_46 = arith.extui %gt3A_45 : i1 to i32
    %cond3A_47 = arith.constant 0 : i32
    %cond3A_48 = arith.cmpi ne, %convert_element_type3A_46, %cond3A_47 : i32
    scf.if %cond3A_48 {
      %get3A_49 = arith.constant 0 : index
      %get3A_50 = arith.constant 0 : index
      %get3A_51 = vector.load %arg7[%get3A_49, %get3A_50] : memref<64x1xf32, #tpu.memory_space<vmem>>, vector<64x1xf32>
      %add3A_52 = arith.addf %get3A_51, %reshape3A : vector<64x1xf32>
      %swap3A = arith.constant 0 : index
      %swap3A_53 = arith.constant 0 : index
      %swap3A_54 = vector.load %arg7[%swap3A, %swap3A_53] : memref<64x1xf32, #tpu.memory_space<vmem>>, vector<64x1xf32>
      tpu.vector_store %arg7[%swap3A, %swap3A_53], %add3A_52 {strides = array<i32>} : memref<64x1xf32, #tpu.memory_space<vmem>>, vector<64x1xf32>,
    } else {
    }
    return
  }
  func.func @transform_0(%arg0: i32) -> (i32, i32, i32) {
    %c0_i32 = arith.constant 0 : i32
    %c0_i32_0 = arith.constant 0 : i32
    %c0_i32_1 = arith.constant 0 : i32
    return %c0_i32, %arg0, %c0_i32_0 : i32, i32, i32
  }
  func.func @transform_1(%arg0: i32) -> (i32, i32) {
    %c0_i32 = arith.constant 0 : i32
    %c0_i32_0 = arith.constant 0 : i32
    return %arg0, %c0_i32 : i32, i32
  }
  func.func @transform_2(%arg0: i32) -> (i32, i32) {
    %c0_i32 = arith.constant 0 : i32
    %c0_i32_0 = arith.constant 0 : i32
    %c0_i32_1 = arith.constant 0 : i32
    return %c0_i32, %c0_i32_0 : i32, i32
  }
  func.func @transform_3(%arg0: i32) -> (i32, i32) {
    %c0_i32 = arith.constant 0 : i32
    %c0_i32_0 = arith.constant 0 : i32
    return %arg0, %c0_i32 : i32, i32
  }
  func.func @transform_4(%arg0: i32) -> (i32, i32) {
    %c0_i32 = arith.constant 0 : i32
    %c0_i32_0 = arith.constant 0 : i32
    %c0_i32_1 = arith.constant 0 : i32
    return %c0_i32, %c0_i32_0 : i32, i32
  }
  func.func @transform_5(%arg0: i32) -> (i32, i32) {
    %c0_i32 = arith.constant 0 : i32
    %c0_i32_0 = arith.constant 0 : i32
    %c0_i32_1 = arith.constant 0 : i32
    return %c0_i32, %c0_i32_0 : i32, i32
  }
  func.func @transform_6(%arg0: i32) -> (i32, i32) {
    %c0_i32 = arith.constant 0 : i32
    %c0_i32_0 = arith.constant 0 : i32
    %c0_i32_1 = arith.constant 0 : i32
    return %c0_i32, %c0_i32_0 : i32, i32
  }
}

</mosaic_0001>

<sc_bundles>
// kernel: kernel.6.cloned.1.call-start
scs
__scs_entry_jumppad:
0x0: {  	(pc) =	sbr.rel $0x88, $3  }
0x1: {  	(tag) =	ssettag $0x0;
	lr =	simm.s32 $0x1  }
0x2: {  	[smem:$0x3F98] =	sst lr;
	_ =	strace $0xD0000000  }
0x3: {  	_ = 	snop  }
0x4: {  	_ = 	snop  }
0x5: {  	_ = 	snop  }
0x6: {  	_ = 	snop  }
0x7: {  	_ = 	snop  }
__scs_overlays_trampoline_lowered:
0x8: {  	[smem:$0x3FA7] =	sst s0  }
0x9: {  	[smem:$0x3FA8] =	sst s1  }
0xa: {  	[smem:$0x3FA9] =	sst s2  }
0xb: {  	[smem:$0x3FAA] =	sst s3  }
0xc: {  	[smem:$0x3FAB] =	sst s4  }
0xd: {  	[smem:$0x3FAC] =	sst s5  }
0xe: {  	[smem:$0x3FAD] =	sst s6  }
0xf: {  	[smem:$0x3FAE] =	sst s7  }
0x10: {  	[smem:$0x3FAF] =	sst s8  }
0x11: {  	[smem:$0x3FB0] =	sst s9;
	s0 =	simm.s32 @!p0 $0x0  }
0x12: {  	s1 =	sld [smem:$0x3F96];
	s0 =	simm.s32 @p0 $0x1  }
0x13: {  	[smem:$0x3FB1] =	sst s0;
	s0 =	simm.s32 @!p1 $0x0  }
0x14: {  	s2 =	sld [smem:$0x3F95];
	s0 =	simm.s32 @p1 $0x1  }
0x15: {  	[smem:$0x3FB2] =	sst s0;
	s0 =	simm.s32 @!p2 $0x0  }
0x16: {  	s3 =	sld [smem:$0x3FDB];
	s0 =	simm.s32 @p2 $0x1  }
0x17: {  	s4 =	simm.s32 $0x1BF5;
	[smem:$0x3FB4] =	sst s0  }
0x18: {  	s0 =	sld [smem:$0x3F97];
	_ =	swait.ge [sflag:s4], $0x0  }
0x19: {  	s7 =	sld [smem:$0x3F98]  }
0x1a: {  	s8 =	sadd.s32 $0xFFFFE003, lr  }
0x1b: {  	s9 =	sadd.s32 $0xFFFFFEF7, lr;
	s5 =	simm.s32 $0xFFFFFFFF;
	p2 =	slt.u32 s8, $0xFFFFF086  }
0x1c: {  	p1 =	slt.u32 s9, $0xF7A;
	s5 =	simm.s32 @!p2 $0x0  }
0x1d: {  	s5 =	simm.s32 @p1 $0x1;
	p0 =	seq.s32 s7, s2  }
0x1e: {  	s7 =	smul.u32 @!p0 $0xF7A, s2;
	p2 =	seq.s32 @!p0 s5, $0x0  }
0x1f: {  	s9 =	smul.u32 $0xF7A, s1;
	s8 =	simm.s32 @!p0 $0x1BF5;
	p2 =	por !p2, p0  }
0x20: {  	[sflag:s8] =	ssyncset.s32 @!p0 $0xFFFFF086;
	s6 =	sadd.s32 @!p0 s3, s7;
	s7 =	simm.s32 @!p0 $0x108  }
0x21: {  	s3 =	sadd.s32 s3, s9;
	s6 =	sadd.s32 @!p0 $0x88, s6;
	s7 =	simm.s32 @p2 $0x1082  }
0x22: {  	[simem:s7], [sflag:s8] =	dma.local @!p0 [hbm:s6], $0xF7A  }
0x23: {  	s9 =	sor.u32 $0xD0000000, s2;
	s6 =	simm.s32 $0x108;
	_ =	swait.ge @!p0 [sflag:s8], $0x0  }
0x24: {  	s3 =	sadd.s32 $0x88, s3;
	s6 =	simm.s32 @!p1 $0x1082;
	[sflag:s4] =	ssyncset.s32 $0xFFFFF086  }
0x25: {  	[simem:s6], [sflag:s4] =	dma.local [hbm:s3], $0xF7A  }
0x26: {  	[smem:$0x3F98] =	sst s1;
	(tag) =	ssettag s2;
	_ =	strace s9  }
0x27: {  	s1 =	sld [smem:$0x3FA8]  }
0x28: {  	s2 =	sld [smem:$0x3FA9]  }
0x29: {  	s4 =	sld [smem:$0x3FAB]  }
0x2a: {  	p0 =	seq.s32 s5, $0x0;
	s5 =	sld [smem:$0x3FAC]  }
0x2b: {  	s6 =	sld [smem:$0x3FAD]  }
0x2c: {  	s7 =	sld [smem:$0x3FAE]  }
0x2d: {  	s3 =	simm.s32 $0x108;
	s8 =	sld [smem:$0x3FAF]  }
0x2e: {  	s3 =	simm.s32 @!p0 $0x1082;
	s9 =	sld [smem:$0x3FB0]  }
0x2f: {  	lr =	sadd.s32 s0, s3;
	s0 =	sld [smem:$0x3FA7]  }
0x30: {  	s3 =	sld [smem:$0x3FAA]  }
0x31: {  	[smem:$0x3FB3] =	sst s10  }
0x32: {  	s10 =	sld [smem:$0x3FB1];
	_ =	sdelay $0x3  }
0x33: {  	p0 =	seq.s32 s10, $0x1;
	s10 =	sld [smem:$0x3FB3];
	_ =	sdelay $0x3  }
0x34: {  	[smem:$0x3FB3] =	sst s10  }
0x35: {  	s10 =	sld [smem:$0x3FB2];
	_ =	sdelay $0x3  }
0x36: {  	p1 =	seq.s32 s10, $0x1;
	s10 =	sld [smem:$0x3FB3];
	_ =	sdelay $0x3  }
0x37: {  	[smem:$0x3FB3] =	sst s10  }
0x38: {  	s10 =	sld [smem:$0x3FB4]  }
0x39: {  	_ = 	snop;
	(pc) =	sbr.ind lr, $3  }
0x3a: {  	_ = 	snop  }
0x3b: {  	_ = 	snop  }
0x3c: {  	p2 =	seq.s32 s10, $0x1;
	s10 =	sld [smem:$0x3FB3]  }
0x3d: {  	_ =	shalt  }
0x3e: {  	_ =	shalt  }
0x3f: {  	_ =	shalt  }
0x40: {  	_ =	shalt  }
0x41: {  	_ =	shalt  }
0x42: {  	_ =	shalt  }
0x43: {  	_ =	shalt  }
0x44: {  	_ =	shalt  }
0x45: {  	_ =	shalt  }
0x46: {  	_ =	shalt  }
0x47: {  	_ =	shalt  }
0x48: {  	_ =	shalt  }
0x49: {  	_ =	shalt  }
0x4a: {  	_ =	shalt  }
0x4b: {  	_ =	shalt  }
0x4c: {  	_ =	shalt  }
0x4d: {  	_ =	shalt  }
0x4e: {  	_ =	shalt  }
0x4f: {  	_ =	shalt  }
0x50: {  	_ =	shalt  }
0x51: {  	_ =	shalt  }
0x52: {  	_ =	shalt  }
0x53: {  	_ =	shalt  }
0x54: {  	_ =	shalt  }
0x55: {  	_ =	shalt  }
0x56: {  	_ =	shalt  }
0x57: {  	_ =	shalt  }
0x58: {  	_ =	shalt  }
0x59: {  	_ =	shalt  }
0x5a: {  	_ =	shalt  }
0x5b: {  	_ =	shalt  }
0x5c: {  	_ =	shalt  }
0x5d: {  	_ =	shalt  }
0x5e: {  	_ =	shalt  }
0x5f: {  	_ =	shalt  }
0x60: {  	_ =	shalt  }
0x61: {  	_ =	shalt  }
0x62: {  	_ =	shalt  }
0x63: {  	_ =	shalt  }
0x64: {  	_ =	shalt  }
0x65: {  	_ =	shalt  }
0x66: {  	_ =	shalt  }
0x67: {  	_ =	shalt  }
0x68: {  	_ =	shalt  }
0x69: {  	_ =	shalt  }
0x6a: {  	_ =	shalt  }
0x6b: {  	_ =	shalt  }
0x6c: {  	_ =	shalt  }
0x6d: {  	_ =	shalt  }
0x6e: {  	_ =	shalt  }
0x6f: {  	_ =	shalt  }
0x70: {  	_ =	shalt  }
0x71: {  	_ =	shalt  }
0x72: {  	_ =	shalt  }
0x73: {  	_ =	shalt  }
0x74: {  	_ =	shalt  }
0x75: {  	_ =	shalt  }
0x76: {  	_ =	shalt  }
0x77: {  	_ =	shalt  }
0x78: {  	_ =	shalt  }
0x79: {  	_ =	shalt  }
0x7a: {  	_ =	shalt  }
0x7b: {  	_ =	shalt  }
0x7c: {  	_ =	shalt  }
0x7d: {  	_ =	shalt  }
0x7e: {  	_ =	shalt  }
0x7f: {  	_ =	shalt  }
0x80: {  	_ =	shalt  }
0x81: {  	_ =	shalt  }
0x82: {  	_ =	shalt  }
0x83: {  	_ =	shalt  }
0x84: {  	_ =	shalt  }
0x85: {  	_ =	shalt  }
0x86: {  	_ =	shalt  }
0x87: {  	_ =	shalt  }
.Lfunc_end0:
.L_simem_size_0:
called_computation_lowered:
.L_overlay_start_0:
0x88: {  	s2 =	sld [smem:$0x3FD9]  }
0x89: {  	s3 =	sld [smem:$0x3FFE];
	_ =	sdelay $0x1  }
0x8a: {  	s1 =	srdreg.scid  }
0x8b: {  	s0 =	sand.u32 $0x1, s1  }
0x8c: {  	s16 =	sshll.u32 s0, $0xA;
	s2 =	sadd.s32 s3, s2  }
0x8d: {  	s2 =	sadd.s32 s2, s16  }
0x8e: {  	[smem:$0x3FBF] =	sst s2  }
0x8f: {  	_ = 	snop  }
0x90: {  	(tm) =	ssettm $0x1  }
0x91: {  	s17 =	sld [smem:$0x3FFB];
	_ =	sdelay $0x3  }
0x92: {  	_ =	strace s17  }
0x93: {  	s2 =	sld [smem:$0x3FFC];
	_ =	sdelay $0x3  }
0x94: {  	_ =	strace s2  }
0x95: {  	s2 =	sld [smem:$0x3FFD];
	_ =	sdelay $0x3  }
0x96: {  	_ =	strace s2  }
0x97: {  	_ =	strace $0x8FFFFFFF  }
0x98: {  	s18 =	sld [smem:$0x3FDB];
	_ =	sdelay $0x1  }
0x99: {  	s19 =	simm.s32 $_scs_section_size  }
0x9a: {  	s4 =	simm.s32 $_size__tile_overlayer_lowered;
	s5 =	simm.s32 $_tile_overlayer_lowered  }
0x9b: {  	s22 =	simm.s32 $0x1BFF;
	s21 =	sshll.u32 s5, $0x1;
	s2 =	sadd.s32 s19, s18  }
0x9c: {  	s6 =	simm.s32 $0x0;
	s20 =	sshll.u32 s4, $0x1;
	s4 =	sadd.s32 s21, s2  }
0x9d: {  	[timem:s6], [sflag:s22] =	dma.local [hbm:s4], s20  }
0x9e: {  	_ =	swait.ge [sflag:s22], s20  }
0x9f: {  	s3 =	ssub.s32 $0x0, s20;
	[sflag:s22] =	ssyncset.done $0x0  }
0xa0: {  	[sflag:s22] =	ssyncadd.s32 s3;
	_ =	sdelay $0x1  }
0xa1: {  	s23 =	simm.s32 $0x1B8B  }
0xa2: {  	_ =	swait.ge [sflag:s23], $0x1  }
0xa3: {  	[sflag:s23] =	ssyncset.done $0x0  }
0xa4: {  	s25 =	simm.s32 $0x1B8E;
	s24 =	sld [smem:$0x3FFE];
	[sflag:s23] =	ssyncadd.s32 $0xFFFFFFFF  }
0xa5: {  	s26 =	simm.s32 $execute0_lowered;
	[smem:$0x3FD2] =	sst s25  }
0xa6: {  	s4 =	sshll.u32 s26, $0x1;
	_ =	strace $0x80000046;
	[dreg:$0x1] =	wrdreg $0xFFFFFFFF  }
0xa7: {  	s28 =	simm.s32 $_size_execute0_lowered;
	s2 =	sadd.s32 s2, s4;
	[dreg:$0x0] =	wrdreg $0x0  }
0xa8: {  	s4 =	sshll.u32 s28, $0x1;
	[dreg:$0x2] =	wrdreg s2  }
0xa9: {  	[dreg:$0x3] =	wrdreg s4  }
0xaa: {  	[dreg:$0x4] =	wrdreg $0xC0  }
0xab: {  	_ =	task [dreg:s6], $0x5FFFF  }
0xac: {  	[dreg:$0x1] =	wrdreg $0xFFFFFFFF  }
0xad: {  	[dreg:$0x0] =	wrdreg $0x60  }
0xae: {  	[dreg:$0x2] =	wrdreg s24  }
0xaf: {  	[dreg:$0x3] =	wrdreg $0x28800  }
0xb0: {  	[dreg:$0x4] =	wrdreg $0x9  }
0xb1: {  	_ =	task.clear_ibuf [dreg:s6], $0x5FFFF;
	_ =	strace $0x90000046  }
0xb2: {  	s29 =	simm.s32 $0x9;
	_ =	strace $0x80000048  }
0xb3: {  	_ =	swait.ge [sflag:s29], $0x1  }
0xb4: {  	[sflag:s29] =	ssyncadd.s32 $0xFFFFFFFF  }
0xb5: {  	_ =	strace $0x90000048  }
0xb6: {  	_ =	sfence  }
0xb7: {  	s30 =	sld [smem:$0x0];
	_ =	sdelay $0x2  }
0xb8: {  	s31 =	sshll.u32 s1, $0xD;
	s1 =	sshrl.u32 s1, $0x2  }
0xb9: {  	s3 =	sand.u32 $0x4000, s31;
	s1 =	sadd.s32 s1, s30  }
0xba: {  	s0 =	sor.u32 s3, s0;
	s1 =	sshll.u32 s1, $0x11  }
0xbb: {  	s0 =	sor.u32 s1, s0  }
0xbc: {  	s0 =	sadd.s32 $0x8F2B, s0  }
0xbd: {  	[sflag:s0] =	ssyncadd.remote.s32 $0x1  }
0xbe: {  	_ =	sfence.sel $0xFFFF  }
0xbf: {  	[dreg:$0x0] =	wrdreg $0xFFFFFFFF;
	(pc) =	sbr.abs _section_cstart, $3  }
0xc0: {  	[dreg:$0x1] =	wrdreg $0xFFFFFFFF  }
0xc1: {  	_ =	task.clear_ibuf [dreg:s6], $0x2FFFF;
	_ =	strace $0x9FFFFFFF  }
0xc2: {  	(tm) =	ssettm $0x7FFFFFFF  }
0xc3: {  	_ =	shalt  }
tec
execute0_lowered:
.L_overlay_start_1:
0x0: {  	(tag) =	ssettag $0x1  }
0x1: {  	s4 =	rddreg [dreg:$0x0];
	s0 =	stileid.u32  }
0x2: {  	s1 =	srdreg.scid;
	s2 =	rddreg [dreg:$0x1];
	s3 =	simm.s32 $0x0  }
0x3: {  	s5 =	smul.u32 $0x500, s0;
	s7 =	sand.u32 $0x1, s1;
	s1 =	rddreg [dreg:$0x2]  }
0x4: {  	s14 =	simm.s32 $0x0;
	s6 =	smul.u32 $0x280, s0;
	[smem:$0x7FF] =	sst s3  }
0x5: {  	s31 =	sshll.u32 s0, $0x6;
	s8 =	smul.u32 $0x2800, s7;
	_ =	strace $0x80000047  }
0x6: {  	s10 =	ssub.s32 $0x2, s7;
	s13 =	smul.u32 $0x5000, s7;
	s9 =	sadd.s32 s5, s4  }
0x7: {  	s29 =	sshrl.u32 s6, $0x3;
	s30 =	sshrl.u32 s10, $0x1;
	s12 =	sadd.s32 s6, s2  }
0x8: {  	s28 =	sadd.s32 s6, s8;
	s8 =	sadd.s32 s29, s4;
	s10 =	ssub.s32 s10, s30  }
0x9: {  	s6 =	sadd.s32 $0xE00, s9;
	s9 =	sshrl.u32 s13, $0x2;
	s5 =	sshrl.u32 s28, $0x3  }
0xa: {  	s13 =	simm.s32 $0x2800;
	s11 =	sadd.s32 s5, s4;
	s4 =	sadd.s32 $0x5E00, s8  }
0xb: {  	s5 =	sor.u32 $0x1C01, s31;
	s8 =	smax.u32 s10, $0x1;
	s10 =	sshrl.u32 s12, $0x3  }
0xc: {  	v0 =	vimm.f32 $1.000000000e+00;
	s12 =	simm.s32 $0x80;
	s7 =	sadd.s32 $0x6400, s11;
	s11 =	simm.s32 $0x1  }
.LBB2_1:
0xd: {  	[tilespmem:$0x2800] =	vst v0  }
0xe: {  	[tilespmem:$0x2810] =	vst v0  }
0xf: {  	[tilespmem:$0x2820] =	vst v0  }
0x10: {  	[tilespmem:$0x2830] =	vst v0  }
0x11: {  	[tilespmem:$0x2840] =	vst v0  }
0x12: {  	[tilespmem:$0x2850] =	vst v0  }
0x13: {  	[tilespmem:$0x2860] =	vst v0  }
0x14: {  	[tilespmem:$0x2870] =	vst v0  }
0x15: {  	[spmem:s10], [sflag:s5] =	dma.local [hbm:s4], $0x50  }
0x16: {  	_ =	swait.ge [sflag:s11], $0x50  }
0x17: {  	[sflag:s11] =	ssyncset.done $0x0  }
0x18: {  	[sflag:s11] =	ssyncadd.s32 $0xFFFFFFB0  }
0x19: {  	[tilespmem:s3], [sflag:$0x1] =	stream.linear.gather [hbm4b:s6+s3], $0x2800, $0x38;
	[tilespmem:$0x2B00] =	vst v63  }
0x1a: {  	_ =	swait.ge [sflag:s11], $0x2800  }
0x1b: {  	[sflag:s11] =	ssyncset.done $0x0  }
0x1c: {  	[sflag:s11] =	ssyncadd.s32 $0xFFFFD800  }
0x1d: {  	s15 =	sadd.s32 $0x0, s9;
	[bflag:$0x0] =	sbarrier.arrive $0xFFFF  }
0x1e: {  	[spmem:s2] =	stream.indirect.scatter.add.f32 [tilespmem:s13], [sflag:$0x1], $0x1, s15, s12, $0xb8;
	[tilespmem:$0x2B00] =	vst v63  }
0x1f: {  	s15 =	simm.s32 $0x200;
	_ =	swait.ge [sflag:s11], $0x80  }
.LBB2_2:
0x20: {  	s16 =	sshra.s32 s15, $0x2;
	[sflag:s11] =	ssyncset.done $0x0;
	p0 =	sne.s32 s15, $0x4E00  }
.Ltmp0:
0x21: {  	s16 =	sadd.s32 s16, s9;
	[sflag:s11] =	ssyncadd.s32 $0xFFFFFF80;
	(pc) =	sbr.rel @p0 .LBB2_2-.Ltmp0, $3  }
0x22: {  	[spmem:s2] =	stream.indirect.scatter.add.f32 [tilespmem:s13], [sflag:$0x1], $0x1, s16, s12, $0xb8;
	[tilespmem:$0x2B00] =	vst v63  }
0x23: {  	s15 =	sadd.s32 $0x200, s15;
	_ =	sdelay $0x1  }
0x24: {  	_ =	swait.ge [sflag:s11], $0x80  }
0x25: {  	[sflag:s11] =	ssyncset.done $0x0;
	s14 =	sadd.s32 $0x1, s14  }
0x26: {  	[sflag:s11] =	ssyncadd.s32 $0xFFFFFF80;
	p0 =	sne.s32 s14, s8  }
.Ltmp1:
0x27: {  	[bflag:$0x0] =	sbarrier.arrive $0xFFFF;
	(pc) =	sbr.rel @p0 .LBB2_1-.Ltmp1, $4  }
0x28: {  	[hbm:s7], [sflag:s5] =	dma.local [spmem:s10], $0x50  }
0x29: {  	_ =	swait.ge [sflag:s11], $0x50  }
0x2a: {  	[sflag:s11] =	ssyncset.done $0x0  }
0x2b: {  	[sflag:s11] =	ssyncadd.s32 $0xFFFFFFB0  }
0x2c: {  	_ =	sfence.sel $0x180000  }
0x2d: {  	[bflag:$0x0] =	sbarrier.arrive $0xFFFF  }
0x2e: {  	p0 =	sne.s32 s0, $0x0;
	_ =	strace $0x90000047  }
0x2f: {  	s0 =	sadd.s32 @!p0 $0x100000, s1;
	[bflag:$0x2] =	sbarrier.arrive $0xFFFF  }
0x30: {  	[sflag:s0] =	ssyncadd.tile.s32 @!p0 $0x1;
	_ =	shalt  }
.Lfunc_end2:
_tile_overlayer_lowered:
.L_overlay_start_2:
0x31: {  	(tag) =	ssettag $0x2  }
0x32: {  	s0 =	rddreg [dreg:$0x0];
	s2 =	stileid.u32  }
0x33: {  	s1 =	rddreg [dreg:$0x1];
	p0 =	sne.s32 s2, $0x0  }
0x34: {  	s3 =	rddreg [dreg:$0x2];
	[bflag:$0x3] =	sbarrier.arrive $0xFFFF;
	s2 =	simm.s32 @!p0 $0x1C01  }
0x35: {  	[timem:s3], [sflag:s2] =	dma.local @!p0 [hbm:s0], s1  }
0x36: {  	s0 =	simm.s32 @!p0 $0x1  }
0x37: {  	_ =	swait.ge @!p0 [sflag:s0], s1  }
0x38: {  	s1 =	ssub.s32 @!p0 $0x0, s1;
	[sflag:s0] =	ssyncset.done @!p0 $0x0  }
0x39: {  	[sflag:s0] =	ssyncadd.s32 @!p0 s1  }
0x3a: {  	[bflag:$0x3] =	sbarrier.arrive $0xFFFF  }
0x3b: {  	_ =	shalt  }

// kernel: sc_edge_scatter.4.cloned.1.call-start
scs
__scs_entry_jumppad:
0x0: {  	(pc) =	sbr.rel $0x88, $3  }
0x1: {  	(tag) =	ssettag $0x0;
	lr =	simm.s32 $0x1  }
0x2: {  	[smem:$0x3F98] =	sst lr;
	_ =	strace $0xD0000000  }
0x3: {  	_ = 	snop  }
0x4: {  	_ = 	snop  }
0x5: {  	_ = 	snop  }
0x6: {  	_ = 	snop  }
0x7: {  	_ = 	snop  }
__scs_overlays_trampoline_lowered:
0x8: {  	[smem:$0x3FA7] =	sst s0  }
0x9: {  	[smem:$0x3FA8] =	sst s1  }
0xa: {  	[smem:$0x3FA9] =	sst s2  }
0xb: {  	[smem:$0x3FAA] =	sst s3  }
0xc: {  	[smem:$0x3FAB] =	sst s4  }
0xd: {  	[smem:$0x3FAC] =	sst s5  }
0xe: {  	[smem:$0x3FAD] =	sst s6  }
0xf: {  	[smem:$0x3FAE] =	sst s7  }
0x10: {  	[smem:$0x3FAF] =	sst s8  }
0x11: {  	[smem:$0x3FB0] =	sst s9;
	s0 =	simm.s32 @!p0 $0x0  }
0x12: {  	s1 =	sld [smem:$0x3F96];
	s0 =	simm.s32 @p0 $0x1  }
0x13: {  	[smem:$0x3FB1] =	sst s0;
	s0 =	simm.s32 @!p1 $0x0  }
0x14: {  	s2 =	sld [smem:$0x3F95];
	s0 =	simm.s32 @p1 $0x1  }
0x15: {  	[smem:$0x3FB2] =	sst s0;
	s0 =	simm.s32 @!p2 $0x0  }
0x16: {  	s3 =	sld [smem:$0x3FDB];
	s0 =	simm.s32 @p2 $0x1  }
0x17: {  	s4 =	simm.s32 $0x1BF5;
	[smem:$0x3FB4] =	sst s0  }
0x18: {  	s0 =	sld [smem:$0x3F97];
	_ =	swait.ge [sflag:s4], $0x0  }
0x19: {  	s7 =	sld [smem:$0x3F98]  }
0x1a: {  	s8 =	sadd.s32 $0xFFFFE003, lr  }
0x1b: {  	s9 =	sadd.s32 $0xFFFFFEF7, lr;
	s5 =	simm.s32 $0xFFFFFFFF;
	p2 =	slt.u32 s8, $0xFFFFF086  }
0x1c: {  	p1 =	slt.u32 s9, $0xF7A;
	s5 =	simm.s32 @!p2 $0x0  }
0x1d: {  	s5 =	simm.s32 @p1 $0x1;
	p0 =	seq.s32 s7, s2  }
0x1e: {  	s7 =	smul.u32 @!p0 $0xF7A, s2;
	p2 =	seq.s32 @!p0 s5, $0x0  }
0x1f: {  	s9 =	smul.u32 $0xF7A, s1;
	s8 =	simm.s32 @!p0 $0x1BF5;
	p2 =	por !p2, p0  }
0x20: {  	[sflag:s8] =	ssyncset.s32 @!p0 $0xFFFFF086;
	s6 =	sadd.s32 @!p0 s3, s7;
	s7 =	simm.s32 @!p0 $0x108  }
0x21: {  	s3 =	sadd.s32 s3, s9;
	s6 =	sadd.s32 @!p0 $0x88, s6;
	s7 =	simm.s32 @p2 $0x1082  }
0x22: {  	[simem:s7], [sflag:s8] =	dma.local @!p0 [hbm:s6], $0xF7A  }
0x23: {  	s9 =	sor.u32 $0xD0000000, s2;
	s6 =	simm.s32 $0x108;
	_ =	swait.ge @!p0 [sflag:s8], $0x0  }
0x24: {  	s3 =	sadd.s32 $0x88, s3;
	s6 =	simm.s32 @!p1 $0x1082;
	[sflag:s4] =	ssyncset.s32 $0xFFFFF086  }
0x25: {  	[simem:s6], [sflag:s4] =	dma.local [hbm:s3], $0xF7A  }
0x26: {  	[smem:$0x3F98] =	sst s1;
	(tag) =	ssettag s2;
	_ =	strace s9  }
0x27: {  	s1 =	sld [smem:$0x3FA8]  }
0x28: {  	s2 =	sld [smem:$0x3FA9]  }
0x29: {  	s4 =	sld [smem:$0x3FAB]  }
0x2a: {  	p0 =	seq.s32 s5, $0x0;
	s5 =	sld [smem:$0x3FAC]  }
0x2b: {  	s6 =	sld [smem:$0x3FAD]  }
0x2c: {  	s7 =	sld [smem:$0x3FAE]  }
0x2d: {  	s3 =	simm.s32 $0x108;
	s8 =	sld [smem:$0x3FAF]  }
0x2e: {  	s3 =	simm.s32 @!p0 $0x1082;
	s9 =	sld [smem:$0x3FB0]  }
0x2f: {  	lr =	sadd.s32 s0, s3;
	s0 =	sld [smem:$0x3FA7]  }
0x30: {  	s3 =	sld [smem:$0x3FAA]  }
0x31: {  	[smem:$0x3FB3] =	sst s10  }
0x32: {  	s10 =	sld [smem:$0x3FB1];
	_ =	sdelay $0x3  }
0x33: {  	p0 =	seq.s32 s10, $0x1;
	s10 =	sld [smem:$0x3FB3];
	_ =	sdelay $0x3  }
0x34: {  	[smem:$0x3FB3] =	sst s10  }
0x35: {  	s10 =	sld [smem:$0x3FB2];
	_ =	sdelay $0x3  }
0x36: {  	p1 =	seq.s32 s10, $0x1;
	s10 =	sld [smem:$0x3FB3];
	_ =	sdelay $0x3  }
0x37: {  	[smem:$0x3FB3] =	sst s10  }
0x38: {  	s10 =	sld [smem:$0x3FB4]  }
0x39: {  	_ = 	snop;
	(pc) =	sbr.ind lr, $3  }
0x3a: {  	_ = 	snop  }
0x3b: {  	_ = 	snop  }
0x3c: {  	p2 =	seq.s32 s10, $0x1;
	s10 =	sld [smem:$0x3FB3]  }
0x3d: {  	_ =	shalt  }
0x3e: {  	_ =	shalt  }
0x3f: {  	_ =	shalt  }
0x40: {  	_ =	shalt  }
0x41: {  	_ =	shalt  }
0x42: {  	_ =	shalt  }
0x43: {  	_ =	shalt  }
0x44: {  	_ =	shalt  }
0x45: {  	_ =	shalt  }
0x46: {  	_ =	shalt  }
0x47: {  	_ =	shalt  }
0x48: {  	_ =	shalt  }
0x49: {  	_ =	shalt  }
0x4a: {  	_ =	shalt  }
0x4b: {  	_ =	shalt  }
0x4c: {  	_ =	shalt  }
0x4d: {  	_ =	shalt  }
0x4e: {  	_ =	shalt  }
0x4f: {  	_ =	shalt  }
0x50: {  	_ =	shalt  }
0x51: {  	_ =	shalt  }
0x52: {  	_ =	shalt  }
0x53: {  	_ =	shalt  }
0x54: {  	_ =	shalt  }
0x55: {  	_ =	shalt  }
0x56: {  	_ =	shalt  }
0x57: {  	_ =	shalt  }
0x58: {  	_ =	shalt  }
0x59: {  	_ =	shalt  }
0x5a: {  	_ =	shalt  }
0x5b: {  	_ =	shalt  }
0x5c: {  	_ =	shalt  }
0x5d: {  	_ =	shalt  }
0x5e: {  	_ =	shalt  }
0x5f: {  	_ =	shalt  }
0x60: {  	_ =	shalt  }
0x61: {  	_ =	shalt  }
0x62: {  	_ =	shalt  }
0x63: {  	_ =	shalt  }
0x64: {  	_ =	shalt  }
0x65: {  	_ =	shalt  }
0x66: {  	_ =	shalt  }
0x67: {  	_ =	shalt  }
0x68: {  	_ =	shalt  }
0x69: {  	_ =	shalt  }
0x6a: {  	_ =	shalt  }
0x6b: {  	_ =	shalt  }
0x6c: {  	_ =	shalt  }
0x6d: {  	_ =	shalt  }
0x6e: {  	_ =	shalt  }
0x6f: {  	_ =	shalt  }
0x70: {  	_ =	shalt  }
0x71: {  	_ =	shalt  }
0x72: {  	_ =	shalt  }
0x73: {  	_ =	shalt  }
0x74: {  	_ =	shalt  }
0x75: {  	_ =	shalt  }
0x76: {  	_ =	shalt  }
0x77: {  	_ =	shalt  }
0x78: {  	_ =	shalt  }
0x79: {  	_ =	shalt  }
0x7a: {  	_ =	shalt  }
0x7b: {  	_ =	shalt  }
0x7c: {  	_ =	shalt  }
0x7d: {  	_ =	shalt  }
0x7e: {  	_ =	shalt  }
0x7f: {  	_ =	shalt  }
0x80: {  	_ =	shalt  }
0x81: {  	_ =	shalt  }
0x82: {  	_ =	shalt  }
0x83: {  	_ =	shalt  }
0x84: {  	_ =	shalt  }
0x85: {  	_ =	shalt  }
0x86: {  	_ =	shalt  }
0x87: {  	_ =	shalt  }
.Lfunc_end0:
.L_simem_size_0:
called_computation.1_lowered:
.L_overlay_start_0:
0x88: {  	s2 =	sld [smem:$0x3FD9]  }
0x89: {  	s3 =	sld [smem:$0x3FFE];
	_ =	sdelay $0x1  }
0x8a: {  	s1 =	srdreg.scid  }
0x8b: {  	s0 =	sand.u32 $0x1, s1  }
0x8c: {  	s16 =	sshll.u32 s0, $0xA;
	s2 =	sadd.s32 s3, s2  }
0x8d: {  	s2 =	sadd.s32 s2, s16  }
0x8e: {  	[smem:$0x3FBF] =	sst s2  }
0x8f: {  	_ = 	snop  }
0x90: {  	(tm) =	ssettm $0x1  }
0x91: {  	s17 =	sld [smem:$0x3FFB];
	_ =	sdelay $0x3  }
0x92: {  	_ =	strace s17  }
0x93: {  	s2 =	sld [smem:$0x3FFC];
	_ =	sdelay $0x3  }
0x94: {  	_ =	strace s2  }
0x95: {  	s2 =	sld [smem:$0x3FFD];
	_ =	sdelay $0x3  }
0x96: {  	_ =	strace s2  }
0x97: {  	_ =	strace $0x8FFFFFFF  }
0x98: {  	s18 =	sld [smem:$0x3FDB];
	_ =	sdelay $0x1  }
0x99: {  	s19 =	simm.s32 $_scs_section_size  }
0x9a: {  	s4 =	simm.s32 $_size__tile_overlayer_lowered;
	s5 =	simm.s32 $_tile_overlayer_lowered  }
0x9b: {  	s22 =	simm.s32 $0x1BFF;
	s21 =	sshll.u32 s5, $0x1;
	s2 =	sadd.s32 s19, s18  }
0x9c: {  	s6 =	simm.s32 $0x0;
	s20 =	sshll.u32 s4, $0x1;
	s4 =	sadd.s32 s21, s2  }
0x9d: {  	[timem:s6], [sflag:s22] =	dma.local [hbm:s4], s20  }
0x9e: {  	_ =	swait.ge [sflag:s22], s20  }
0x9f: {  	s3 =	ssub.s32 $0x0, s20;
	[sflag:s22] =	ssyncset.done $0x0  }
0xa0: {  	[sflag:s22] =	ssyncadd.s32 s3;
	_ =	sdelay $0x1  }
0xa1: {  	s23 =	simm.s32 $0x1B8B  }
0xa2: {  	_ =	swait.ge [sflag:s23], $0x1  }
0xa3: {  	[sflag:s23] =	ssyncset.done $0x0  }
0xa4: {  	s25 =	simm.s32 $0x1B8E;
	s24 =	sld [smem:$0x3FFE];
	[sflag:s23] =	ssyncadd.s32 $0xFFFFFFFF  }
0xa5: {  	s26 =	simm.s32 $execute0_lowered;
	[smem:$0x3FD2] =	sst s25  }
0xa6: {  	s4 =	sshll.u32 s26, $0x1;
	_ =	strace $0x80000049;
	[dreg:$0x1] =	wrdreg $0xFFFFFFFF  }
0xa7: {  	s28 =	simm.s32 $_size_execute0_lowered;
	s2 =	sadd.s32 s2, s4;
	[dreg:$0x0] =	wrdreg $0x0  }
0xa8: {  	s4 =	sshll.u32 s28, $0x1;
	[dreg:$0x2] =	wrdreg s2  }
0xa9: {  	[dreg:$0x3] =	wrdreg s4  }
0xaa: {  	[dreg:$0x4] =	wrdreg $0xC0  }
0xab: {  	_ =	task [dreg:s6], $0x5FFFF  }
0xac: {  	[dreg:$0x1] =	wrdreg $0xFFFFFFFF  }
0xad: {  	[dreg:$0x0] =	wrdreg $0x60  }
0xae: {  	[dreg:$0x2] =	wrdreg s24  }
0xaf: {  	[dreg:$0x3] =	wrdreg $0x90000  }
0xb0: {  	[dreg:$0x4] =	wrdreg $0x9  }
0xb1: {  	_ =	task.clear_ibuf [dreg:s6], $0x5FFFF;
	_ =	strace $0x90000049  }
0xb2: {  	s29 =	simm.s32 $0x9;
	_ =	strace $0x8000004B  }
0xb3: {  	_ =	swait.ge [sflag:s29], $0x1  }
0xb4: {  	[sflag:s29] =	ssyncadd.s32 $0xFFFFFFFF  }
0xb5: {  	_ =	strace $0x9000004B  }
0xb6: {  	_ =	sfence  }
0xb7: {  	s30 =	sld [smem:$0x0];
	_ =	sdelay $0x2  }
0xb8: {  	s31 =	sshll.u32 s1, $0xD;
	s1 =	sshrl.u32 s1, $0x2  }
0xb9: {  	s3 =	sand.u32 $0x4000, s31;
	s1 =	sadd.s32 s1, s30  }
0xba: {  	s0 =	sor.u32 s3, s0;
	s1 =	sshll.u32 s1, $0x11  }
0xbb: {  	s0 =	sor.u32 s1, s0  }
0xbc: {  	s0 =	sadd.s32 $0x8F2B, s0  }
0xbd: {  	[sflag:s0] =	ssyncadd.remote.s32 $0x1  }
0xbe: {  	_ =	sfence.sel $0xFFFF  }
0xbf: {  	[dreg:$0x0] =	wrdreg $0xFFFFFFFF;
	(pc) =	sbr.abs _section_cstart, $3  }
0xc0: {  	[dreg:$0x1] =	wrdreg $0xFFFFFFFF  }
0xc1: {  	_ =	task.clear_ibuf [dreg:s6], $0x2FFFF;
	_ =	strace $0x9FFFFFFF  }
0xc2: {  	(tm) =	ssettm $0x7FFFFFFF  }
0xc3: {  	_ =	shalt  }
tec
execute0_lowered:
.L_overlay_start_1:
0x0: {  	(tag) =	ssettag $0x1  }
0x1: {  	s5 =	rddreg [dreg:$0x0]  }
0x2: {  	s2 =	rddreg [dreg:$0x1]  }
0x3: {  	s0 =	rddreg [dreg:$0x2]  }
0x4: {  	s3 =	simm.s32 $0x0;
	s1 =	stileid.u32;
	s6 =	srdreg.scid  }
0x5: {  	s16 =	simm.s32 $0x5000;
	s17 =	simm.s32 $0x1;
	s7 =	smul.u32 $0x280, s1  }
0x6: {  	s18 =	simm.s32 $0x0;
	[smem:$0x7FF] =	sst s3;
	s8 =	smul.u32 $0x5000, s1  }
0x7: {  	s4 =	sadd.s32 $0x7EE00, s5;
	s6 =	sand.u32 $0x1, s6;
	s11 =	smul.u32 $0x50000, s1  }
0x8: {  	s9 =	sadd.s32 $0x6E00, s5;
	s12 =	sadd.s32 $0x11EE00, s5;
	s13 =	smul.u32 $0xA0000, s6  }
0x9: {  	s10 =	ssub.s32 $0x2, s6;
	s26 =	smul.u32 $0x5000, s6;
	s6 =	sshllo.u32 s6, $0x1  }
0xa: {  	s31 =	sshll.u32 s1, $0x6;
	_ =	strace $0x8000004A;
	s14 =	smul.u32 $0x2800, s6  }
0xb: {  	s25 =	sshrl.u32 s10, $0x1;
	s11 =	sshrl.u32 s11, $0x2;
	s29 =	smul.u32 $0x50000, s6  }
0xc: {  	s5 =	ssub.s32 s10, s25;
	s13 =	sadd.s32 s8, s13;
	s15 =	sadd.s32 s11, s2  }
0xd: {  	s10 =	sadd.s32 s7, s26;
	s28 =	sshrl.u32 s13, $0x3;
	s5 =	smax.u32 s5, $0x1  }
0xe: {  	s10 =	sshll.u32 s10, $0x4;
	s30 =	sadd.s32 s7, s14;
	s8 =	sadd.s32 s8, s29  }
0xf: {  	s14 =	sshrl.u32 s15, $0x3;
	s15 =	simm.s32 $0x80;
	s6 =	sadd.s32 s9, s28  }
0x10: {  	s7 =	sadd.s32 s4, s10;
	s13 =	sshrl.u32 s8, $0x3;
	s11 =	sshll.u32 s30, $0x4  }
0x11: {  	s8 =	sadd.s32 s12, s10;
	s9 =	sadd.s32 s9, s13;
	s10 =	sadd.s32 s4, s11  }
0x12: {  	s11 =	sadd.s32 s12, s11;
	s12 =	simm.s32 $0x2;
	s13 =	sor.u32 $0x1C02, s31  }
.LBB2_1:
0x13: {  	[tilespmem:s3], [sflag:$0x2] =	stream.linear.gather [hbm4b:s6+s3], $0x5000, $0x38;
	[tilespmem:$0x1D000] =	vst v63  }
0x14: {  	_ =	swait.ge [sflag:s12], $0x5000  }
0x15: {  	[sflag:s12] =	ssyncset.done $0x0  }
0x16: {  	[sflag:s12] =	ssyncadd.s32 $0xFFFFB000  }
0x17: {  	[spmem:s14], [sflag:s13] =	dma.local [hbm:s7], $0x2800  }
0x18: {  	_ =	swait.ge [sflag:s12], $0x2800  }
0x19: {  	[sflag:s12] =	ssyncset.done $0x0  }
0x1a: {  	[sflag:s12] =	ssyncadd.s32 $0xFFFFD800  }
0x1b: {  	s19 =	simm.s32 $0x0;
	[bflag:$0x0] =	sbarrier.arrive $0xFFFF  }
0x1c: {  	[tilespmem:s16], [sflag:$0x1] =	stream.indirect.gather [hbm4b:s4+s15], $0x80, s19, s15, $0xb8;
	[tilespmem:$0x1D000] =	vst v63  }
0x1d: {  	_ =	swait.ge [sflag:s17], $0x4000  }
0x1e: {  	[sflag:s17] =	ssyncset.done $0x0  }
0x1f: {  	s31 =	simm.s32 $0x2800;
	[sflag:s17] =	ssyncadd.s32 $0xFFFFC000  }
0x20: {  	[spmem:s2] =	stream.indirect.scatter.add.f32 [tilespmem:s16], [sflag:$0x2], $0x80, s31, s15, $0xb8;
	[tilespmem:$0x1D000] =	vst v63  }
0x21: {  	_ =	swait.ge [sflag:s12], $0x4000  }
0x22: {  	s20 =	simm.s32 $0x400;
	s19 =	simm.s32 $0x200;
	[sflag:s12] =	ssyncset.done $0x0  }
.LBB2_2:
0x23: {  	s21 =	sshra.s32 s19, $0x2  }
0x24: {  	[sflag:s12] =	ssyncadd.s32 $0xFFFFC000;
	s19 =	smov.u32 s20;
	s22 =	sadd.s32 $0x200, s20  }
0x25: {  	[tilespmem:s16], [sflag:$0x1] =	stream.indirect.gather [hbm4b:s4+s15], $0x80, s21, s15, $0xb8;
	[tilespmem:$0x1D000] =	vst v63  }
0x26: {  	p0 =	sne.s32 s20, $0x9E00;
	_ =	swait.ge [sflag:s17], $0x4000  }
.Ltmp0:
0x27: {  	[sflag:s17] =	ssyncset.done $0x0;
	(pc) =	sbr.rel @p0 .LBB2_2-.Ltmp0, $4  }
0x28: {  	s20 =	sadd.s32 $0x2800, s21;
	[sflag:s17] =	ssyncadd.s32 $0xFFFFC000  }
0x29: {  	[spmem:s2] =	stream.indirect.scatter.add.f32 [tilespmem:s16], [sflag:$0x2], $0x80, s20, s15, $0xb8;
	[tilespmem:$0x1D000] =	vst v63  }
0x2a: {  	_ =	swait.ge [sflag:s12], $0x4000  }
0x2b: {  	s20 =	smov.u32 s22;
	[sflag:s12] =	ssyncset.done $0x0  }
0x2c: {  	s19 =	sshra.s32 s19, $0x2;
	[sflag:s12] =	ssyncadd.s32 $0xFFFFC000  }
0x2d: {  	[tilespmem:s16], [sflag:$0x1] =	stream.indirect.gather [hbm4b:s4+s15], $0x80, s19, s15, $0xb8;
	[tilespmem:$0x1D000] =	vst v63  }
0x2e: {  	_ =	swait.ge [sflag:s17], $0x4000  }
0x2f: {  	[sflag:s17] =	ssyncset.done $0x0  }
0x30: {  	s19 =	sadd.s32 $0x2800, s19;
	[sflag:s17] =	ssyncadd.s32 $0xFFFFC000  }
0x31: {  	[spmem:s2] =	stream.indirect.scatter.add.f32 [tilespmem:s16], [sflag:$0x2], $0x80, s19, s15, $0xb8;
	[tilespmem:$0x1D000] =	vst v63  }
0x32: {  	_ =	swait.ge [sflag:s12], $0x4000  }
0x33: {  	[sflag:s12] =	ssyncset.done $0x0  }
0x34: {  	[sflag:s12] =	ssyncadd.s32 $0xFFFFC000  }
0x35: {  	[bflag:$0x0] =	sbarrier.arrive $0xFFFF  }
0x36: {  	[hbm:s8], [sflag:s13] =	dma.local [spmem:s14], $0x2800  }
0x37: {  	_ =	swait.ge [sflag:s12], $0x2800  }
0x38: {  	[sflag:s12] =	ssyncset.done $0x0  }
0x39: {  	[sflag:s12] =	ssyncadd.s32 $0xFFFFD800  }
0x3a: {  	s29 =	simm.s32 $0x0;
	[bflag:$0x0] =	sbarrier.arrive $0xFFFF  }
0x3b: {  	[tilespmem:s29], [sflag:$0x2] =	stream.linear.gather [hbm4b:s9+s29], $0x5000, $0x38;
	[tilespmem:$0x1D000] =	vst v63  }
0x3c: {  	_ =	swait.ge [sflag:s12], $0x5000  }
0x3d: {  	[sflag:s12] =	ssyncset.done $0x0  }
0x3e: {  	[sflag:s12] =	ssyncadd.s32 $0xFFFFB000  }
0x3f: {  	[spmem:s14], [sflag:s13] =	dma.local [hbm:s10], $0x2800  }
0x40: {  	_ =	swait.ge [sflag:s12], $0x2800  }
0x41: {  	[sflag:s12] =	ssyncset.done $0x0  }
0x42: {  	[sflag:s12] =	ssyncadd.s32 $0xFFFFD800  }
0x43: {  	s30 =	simm.s32 $0x0;
	[bflag:$0x0] =	sbarrier.arrive $0xFFFF  }
0x44: {  	[tilespmem:s16], [sflag:$0x1] =	stream.indirect.gather [hbm4b:s4+s15], $0x80, s30, s15, $0xb8;
	[tilespmem:$0x1D000] =	vst v63  }
0x45: {  	_ =	swait.ge [sflag:s17], $0x4000  }
0x46: {  	[sflag:s17] =	ssyncset.done $0x0  }
0x47: {  	s31 =	simm.s32 $0x2800;
	[sflag:s17] =	ssyncadd.s32 $0xFFFFC000  }
0x48: {  	[spmem:s2] =	stream.indirect.scatter.add.f32 [tilespmem:s16], [sflag:$0x2], $0x80, s31, s15, $0xb8;
	[tilespmem:$0x1D000] =	vst v63  }
0x49: {  	_ =	swait.ge [sflag:s12], $0x4000  }
0x4a: {  	s20 =	simm.s32 $0x400;
	s19 =	simm.s32 $0x200;
	[sflag:s12] =	ssyncset.done $0x0  }
.LBB2_4:
0x4b: {  	s21 =	sshra.s32 s19, $0x2  }
0x4c: {  	[sflag:s12] =	ssyncadd.s32 $0xFFFFC000;
	s19 =	smov.u32 s20;
	s22 =	sadd.s32 $0x200, s20  }
0x4d: {  	[tilespmem:s16], [sflag:$0x1] =	stream.indirect.gather [hbm4b:s4+s15], $0x80, s21, s15, $0xb8;
	[tilespmem:$0x1D000] =	vst v63  }
0x4e: {  	p0 =	sne.s32 s20, $0x9E00;
	_ =	swait.ge [sflag:s17], $0x4000  }
.Ltmp1:
0x4f: {  	[sflag:s17] =	ssyncset.done $0x0;
	(pc) =	sbr.rel @p0 .LBB2_4-.Ltmp1, $4  }
0x50: {  	s20 =	sadd.s32 $0x2800, s21;
	[sflag:s17] =	ssyncadd.s32 $0xFFFFC000  }
0x51: {  	[spmem:s2] =	stream.indirect.scatter.add.f32 [tilespmem:s16], [sflag:$0x2], $0x80, s20, s15, $0xb8;
	[tilespmem:$0x1D000] =	vst v63  }
0x52: {  	_ =	swait.ge [sflag:s12], $0x4000  }
0x53: {  	s20 =	smov.u32 s22;
	[sflag:s12] =	ssyncset.done $0x0  }
0x54: {  	s19 =	sshra.s32 s19, $0x2;
	[sflag:s12] =	ssyncadd.s32 $0xFFFFC000  }
0x55: {  	[tilespmem:s16], [sflag:$0x1] =	stream.indirect.gather [hbm4b:s4+s15], $0x80, s19, s15, $0xb8;
	[tilespmem:$0x1D000] =	vst v63  }
0x56: {  	_ =	swait.ge [sflag:s17], $0x4000  }
0x57: {  	[sflag:s17] =	ssyncset.done $0x0  }
0x58: {  	s19 =	sadd.s32 $0x2800, s19;
	[sflag:s17] =	ssyncadd.s32 $0xFFFFC000  }
0x59: {  	[spmem:s2] =	stream.indirect.scatter.add.f32 [tilespmem:s16], [sflag:$0x2], $0x80, s19, s15, $0xb8;
	[tilespmem:$0x1D000] =	vst v63  }
0x5a: {  	_ =	swait.ge [sflag:s12], $0x4000  }
0x5b: {  	[sflag:s12] =	ssyncset.done $0x0  }
0x5c: {  	s18 =	sadd.s32 $0x1, s18;
	[sflag:s12] =	ssyncadd.s32 $0xFFFFC000  }
0x5d: {  	p0 =	sne.s32 s18, s5;
	[bflag:$0x0] =	sbarrier.arrive $0xFFFF  }
0x5e: {  	[hbm:s11], [sflag:s13] =	dma.local [spmem:s14], $0x2800  }
.Ltmp2:
0x5f: {  	_ =	swait.ge [sflag:s12], $0x2800;
	(pc) =	sbr.rel @p0 .LBB2_1-.Ltmp2, $3  }
0x60: {  	[sflag:s12] =	ssyncset.done $0x0  }
0x61: {  	[sflag:s12] =	ssyncadd.s32 $0xFFFFD800  }
0x62: {  	[bflag:$0x0] =	sbarrier.arrive $0xFFFF;
	_ =	sdelay $0x1  }
0x63: {  	_ =	sfence.sel $0x180000  }
0x64: {  	[bflag:$0x0] =	sbarrier.arrive $0xFFFF  }
0x65: {  	p0 =	sne.s32 s1, $0x0;
	_ =	strace $0x9000004A  }
0x66: {  	s0 =	sadd.s32 @!p0 $0x100000, s0;
	[bflag:$0x2] =	sbarrier.arrive $0xFFFF  }
0x67: {  	[sflag:s0] =	ssyncadd.tile.s32 @!p0 $0x1;
	_ =	shalt  }
.Lfunc_end2:
_tile_overlayer_lowered:
.L_overlay_start_2:
0x68: {  	(tag) =	ssettag $0x2  }
0x69: {  	s0 =	rddreg [dreg:$0x0];
	s2 =	stileid.u32  }
0x6a: {  	s1 =	rddreg [dreg:$0x1];
	p0 =	sne.s32 s2, $0x0  }
0x6b: {  	s3 =	rddreg [dreg:$0x2];
	[bflag:$0x3] =	sbarrier.arrive $0xFFFF;
	s2 =	simm.s32 @!p0 $0x1C02  }
0x6c: {  	[timem:s3], [sflag:s2] =	dma.local @!p0 [hbm:s0], s1  }
0x6d: {  	s0 =	simm.s32 @!p0 $0x2  }
0x6e: {  	_ =	swait.ge @!p0 [sflag:s0], s1  }
0x6f: {  	s1 =	ssub.s32 @!p0 $0x0, s1;
	[sflag:s0] =	ssyncset.done @!p0 $0x0  }
0x70: {  	[sflag:s0] =	ssyncadd.s32 @!p0 s1  }
0x71: {  	[bflag:$0x3] =	sbarrier.arrive $0xFFFF  }
0x72: {  	_ =	shalt  }

// kernel: sc_edge_scatter.7.cloned.1.call-start
scs
__scs_entry_jumppad:
0x0: {  	(pc) =	sbr.rel $0x88, $3  }
0x1: {  	(tag) =	ssettag $0x0;
	lr =	simm.s32 $0x1  }
0x2: {  	[smem:$0x3F98] =	sst lr;
	_ =	strace $0xD0000000  }
0x3: {  	_ = 	snop  }
0x4: {  	_ = 	snop  }
0x5: {  	_ = 	snop  }
0x6: {  	_ = 	snop  }
0x7: {  	_ = 	snop  }
__scs_overlays_trampoline_lowered:
0x8: {  	[smem:$0x3FA7] =	sst s0  }
0x9: {  	[smem:$0x3FA8] =	sst s1  }
0xa: {  	[smem:$0x3FA9] =	sst s2  }
0xb: {  	[smem:$0x3FAA] =	sst s3  }
0xc: {  	[smem:$0x3FAB] =	sst s4  }
0xd: {  	[smem:$0x3FAC] =	sst s5  }
0xe: {  	[smem:$0x3FAD] =	sst s6  }
0xf: {  	[smem:$0x3FAE] =	sst s7  }
0x10: {  	[smem:$0x3FAF] =	sst s8  }
0x11: {  	[smem:$0x3FB0] =	sst s9;
	s0 =	simm.s32 @!p0 $0x0  }
0x12: {  	s1 =	sld [smem:$0x3F96];
	s0 =	simm.s32 @p0 $0x1  }
0x13: {  	[smem:$0x3FB1] =	sst s0;
	s0 =	simm.s32 @!p1 $0x0  }
0x14: {  	s2 =	sld [smem:$0x3F95];
	s0 =	simm.s32 @p1 $0x1  }
0x15: {  	[smem:$0x3FB2] =	sst s0;
	s0 =	simm.s32 @!p2 $0x0  }
0x16: {  	s3 =	sld [smem:$0x3FDB];
	s0 =	simm.s32 @p2 $0x1  }
0x17: {  	s4 =	simm.s32 $0x1BF5;
	[smem:$0x3FB4] =	sst s0  }
0x18: {  	s0 =	sld [smem:$0x3F97];
	_ =	swait.ge [sflag:s4], $0x0  }
0x19: {  	s7 =	sld [smem:$0x3F98]  }
0x1a: {  	s8 =	sadd.s32 $0xFFFFE003, lr  }
0x1b: {  	s9 =	sadd.s32 $0xFFFFFEF7, lr;
	s5 =	simm.s32 $0xFFFFFFFF;
	p2 =	slt.u32 s8, $0xFFFFF086  }
0x1c: {  	p1 =	slt.u32 s9, $0xF7A;
	s5 =	simm.s32 @!p2 $0x0  }
0x1d: {  	s5 =	simm.s32 @p1 $0x1;
	p0 =	seq.s32 s7, s2  }
0x1e: {  	s7 =	smul.u32 @!p0 $0xF7A, s2;
	p2 =	seq.s32 @!p0 s5, $0x0  }
0x1f: {  	s9 =	smul.u32 $0xF7A, s1;
	s8 =	simm.s32 @!p0 $0x1BF5;
	p2 =	por !p2, p0  }
0x20: {  	[sflag:s8] =	ssyncset.s32 @!p0 $0xFFFFF086;
	s6 =	sadd.s32 @!p0 s3, s7;
	s7 =	simm.s32 @!p0 $0x108  }
0x21: {  	s3 =	sadd.s32 s3, s9;
	s6 =	sadd.s32 @!p0 $0x88, s6;
	s7 =	simm.s32 @p2 $0x1082  }
0x22: {  	[simem:s7], [sflag:s8] =	dma.local @!p0 [hbm:s6], $0xF7A  }
0x23: {  	s9 =	sor.u32 $0xD0000000, s2;
	s6 =	simm.s32 $0x108;
	_ =	swait.ge @!p0 [sflag:s8], $0x0  }
0x24: {  	s3 =	sadd.s32 $0x88, s3;
	s6 =	simm.s32 @!p1 $0x1082;
	[sflag:s4] =	ssyncset.s32 $0xFFFFF086  }
0x25: {  	[simem:s6], [sflag:s4] =	dma.local [hbm:s3], $0xF7A  }
0x26: {  	[smem:$0x3F98] =	sst s1;
	(tag) =	ssettag s2;
	_ =	strace s9  }
0x27: {  	s1 =	sld [smem:$0x3FA8]  }
0x28: {  	s2 =	sld [smem:$0x3FA9]  }
0x29: {  	s4 =	sld [smem:$0x3FAB]  }
0x2a: {  	p0 =	seq.s32 s5, $0x0;
	s5 =	sld [smem:$0x3FAC]  }
0x2b: {  	s6 =	sld [smem:$0x3FAD]  }
0x2c: {  	s7 =	sld [smem:$0x3FAE]  }
0x2d: {  	s3 =	simm.s32 $0x108;
	s8 =	sld [smem:$0x3FAF]  }
0x2e: {  	s3 =	simm.s32 @!p0 $0x1082;
	s9 =	sld [smem:$0x3FB0]  }
0x2f: {  	lr =	sadd.s32 s0, s3;
	s0 =	sld [smem:$0x3FA7]  }
0x30: {  	s3 =	sld [smem:$0x3FAA]  }
0x31: {  	[smem:$0x3FB3] =	sst s10  }
0x32: {  	s10 =	sld [smem:$0x3FB1];
	_ =	sdelay $0x3  }
0x33: {  	p0 =	seq.s32 s10, $0x1;
	s10 =	sld [smem:$0x3FB3];
	_ =	sdelay $0x3  }
0x34: {  	[smem:$0x3FB3] =	sst s10  }
0x35: {  	s10 =	sld [smem:$0x3FB2];
	_ =	sdelay $0x3  }
0x36: {  	p1 =	seq.s32 s10, $0x1;
	s10 =	sld [smem:$0x3FB3];
	_ =	sdelay $0x3  }
0x37: {  	[smem:$0x3FB3] =	sst s10  }
0x38: {  	s10 =	sld [smem:$0x3FB4]  }
0x39: {  	_ = 	snop;
	(pc) =	sbr.ind lr, $3  }
0x3a: {  	_ = 	snop  }
0x3b: {  	_ = 	snop  }
0x3c: {  	p2 =	seq.s32 s10, $0x1;
	s10 =	sld [smem:$0x3FB3]  }
0x3d: {  	_ =	shalt  }
0x3e: {  	_ =	shalt  }
0x3f: {  	_ =	shalt  }
0x40: {  	_ =	shalt  }
0x41: {  	_ =	shalt  }
0x42: {  	_ =	shalt  }
0x43: {  	_ =	shalt  }
0x44: {  	_ =	shalt  }
0x45: {  	_ =	shalt  }
0x46: {  	_ =	shalt  }
0x47: {  	_ =	shalt  }
0x48: {  	_ =	shalt  }
0x49: {  	_ =	shalt  }
0x4a: {  	_ =	shalt  }
0x4b: {  	_ =	shalt  }
0x4c: {  	_ =	shalt  }
0x4d: {  	_ =	shalt  }
0x4e: {  	_ =	shalt  }
0x4f: {  	_ =	shalt  }
0x50: {  	_ =	shalt  }
0x51: {  	_ =	shalt  }
0x52: {  	_ =	shalt  }
0x53: {  	_ =	shalt  }
0x54: {  	_ =	shalt  }
0x55: {  	_ =	shalt  }
0x56: {  	_ =	shalt  }
0x57: {  	_ =	shalt  }
0x58: {  	_ =	shalt  }
0x59: {  	_ =	shalt  }
0x5a: {  	_ =	shalt  }
0x5b: {  	_ =	shalt  }
0x5c: {  	_ =	shalt  }
0x5d: {  	_ =	shalt  }
0x5e: {  	_ =	shalt  }
0x5f: {  	_ =	shalt  }
0x60: {  	_ =	shalt  }
0x61: {  	_ =	shalt  }
0x62: {  	_ =	shalt  }
0x63: {  	_ =	shalt  }
0x64: {  	_ =	shalt  }
0x65: {  	_ =	shalt  }
0x66: {  	_ =	shalt  }
0x67: {  	_ =	shalt  }
0x68: {  	_ =	shalt  }
0x69: {  	_ =	shalt  }
0x6a: {  	_ =	shalt  }
0x6b: {  	_ =	shalt  }
0x6c: {  	_ =	shalt  }
0x6d: {  	_ =	shalt  }
0x6e: {  	_ =	shalt  }
0x6f: {  	_ =	shalt  }
0x70: {  	_ =	shalt  }
0x71: {  	_ =	shalt  }
0x72: {  	_ =	shalt  }
0x73: {  	_ =	shalt  }
0x74: {  	_ =	shalt  }
0x75: {  	_ =	shalt  }
0x76: {  	_ =	shalt  }
0x77: {  	_ =	shalt  }
0x78: {  	_ =	shalt  }
0x79: {  	_ =	shalt  }
0x7a: {  	_ =	shalt  }
0x7b: {  	_ =	shalt  }
0x7c: {  	_ =	shalt  }
0x7d: {  	_ =	shalt  }
0x7e: {  	_ =	shalt  }
0x7f: {  	_ =	shalt  }
0x80: {  	_ =	shalt  }
0x81: {  	_ =	shalt  }
0x82: {  	_ =	shalt  }
0x83: {  	_ =	shalt  }
0x84: {  	_ =	shalt  }
0x85: {  	_ =	shalt  }
0x86: {  	_ =	shalt  }
0x87: {  	_ =	shalt  }
.Lfunc_end0:
.L_simem_size_0:
called_computation.2_lowered:
.L_overlay_start_0:
0x88: {  	s2 =	sld [smem:$0x3FD9]  }
0x89: {  	s3 =	sld [smem:$0x3FFE];
	_ =	sdelay $0x1  }
0x8a: {  	s1 =	srdreg.scid  }
0x8b: {  	s0 =	sand.u32 $0x1, s1  }
0x8c: {  	s16 =	sshll.u32 s0, $0xA;
	s2 =	sadd.s32 s3, s2  }
0x8d: {  	s2 =	sadd.s32 s2, s16  }
0x8e: {  	[smem:$0x3FBF] =	sst s2  }
0x8f: {  	_ = 	snop  }
0x90: {  	(tm) =	ssettm $0x1  }
0x91: {  	s17 =	sld [smem:$0x3FFB];
	_ =	sdelay $0x3  }
0x92: {  	_ =	strace s17  }
0x93: {  	s2 =	sld [smem:$0x3FFC];
	_ =	sdelay $0x3  }
0x94: {  	_ =	strace s2  }
0x95: {  	s2 =	sld [smem:$0x3FFD];
	_ =	sdelay $0x3  }
0x96: {  	_ =	strace s2  }
0x97: {  	_ =	strace $0x8FFFFFFF  }
0x98: {  	s18 =	sld [smem:$0x3FDB];
	_ =	sdelay $0x1  }
0x99: {  	s19 =	simm.s32 $_scs_section_size  }
0x9a: {  	s4 =	simm.s32 $_size__tile_overlayer_lowered;
	s5 =	simm.s32 $_tile_overlayer_lowered  }
0x9b: {  	s22 =	simm.s32 $0x1BFF;
	s21 =	sshll.u32 s5, $0x1;
	s2 =	sadd.s32 s19, s18  }
0x9c: {  	s6 =	simm.s32 $0x0;
	s20 =	sshll.u32 s4, $0x1;
	s4 =	sadd.s32 s21, s2  }
0x9d: {  	[timem:s6], [sflag:s22] =	dma.local [hbm:s4], s20  }
0x9e: {  	_ =	swait.ge [sflag:s22], s20  }
0x9f: {  	s3 =	ssub.s32 $0x0, s20;
	[sflag:s22] =	ssyncset.done $0x0  }
0xa0: {  	[sflag:s22] =	ssyncadd.s32 s3;
	_ =	sdelay $0x1  }
0xa1: {  	s23 =	simm.s32 $0x1B8B  }
0xa2: {  	_ =	swait.ge [sflag:s23], $0x1  }
0xa3: {  	[sflag:s23] =	ssyncset.done $0x0  }
0xa4: {  	s25 =	simm.s32 $0x1B8E;
	s24 =	sld [smem:$0x3FFE];
	[sflag:s23] =	ssyncadd.s32 $0xFFFFFFFF  }
0xa5: {  	s26 =	simm.s32 $execute0_lowered;
	[smem:$0x3FD2] =	sst s25  }
0xa6: {  	s4 =	sshll.u32 s26, $0x1;
	_ =	strace $0x8000004C;
	[dreg:$0x1] =	wrdreg $0xFFFFFFFF  }
0xa7: {  	s28 =	simm.s32 $_size_execute0_lowered;
	s2 =	sadd.s32 s2, s4;
	[dreg:$0x0] =	wrdreg $0x0  }
0xa8: {  	s4 =	sshll.u32 s28, $0x1;
	[dreg:$0x2] =	wrdreg s2  }
0xa9: {  	[dreg:$0x3] =	wrdreg s4  }
0xaa: {  	[dreg:$0x4] =	wrdreg $0xC0  }
0xab: {  	_ =	task [dreg:s6], $0x5FFFF  }
0xac: {  	[dreg:$0x1] =	wrdreg $0xFFFFFFFF  }
0xad: {  	[dreg:$0x0] =	wrdreg $0x60  }
0xae: {  	[dreg:$0x2] =	wrdreg s24  }
0xaf: {  	[dreg:$0x3] =	wrdreg $0x90000  }
0xb0: {  	[dreg:$0x4] =	wrdreg $0x9  }
0xb1: {  	_ =	task.clear_ibuf [dreg:s6], $0x5FFFF;
	_ =	strace $0x9000004C  }
0xb2: {  	s29 =	simm.s32 $0x9;
	_ =	strace $0x8000004E  }
0xb3: {  	_ =	swait.ge [sflag:s29], $0x1  }
0xb4: {  	[sflag:s29] =	ssyncadd.s32 $0xFFFFFFFF  }
0xb5: {  	_ =	strace $0x9000004E  }
0xb6: {  	_ =	sfence  }
0xb7: {  	s30 =	sld [smem:$0x0];
	_ =	sdelay $0x2  }
0xb8: {  	s31 =	sshll.u32 s1, $0xD;
	s1 =	sshrl.u32 s1, $0x2  }
0xb9: {  	s3 =	sand.u32 $0x4000, s31;
	s1 =	sadd.s32 s1, s30  }
0xba: {  	s0 =	sor.u32 s3, s0;
	s1 =	sshll.u32 s1, $0x11  }
0xbb: {  	s0 =	sor.u32 s1, s0  }
0xbc: {  	s0 =	sadd.s32 $0x8F2B, s0  }
0xbd: {  	[sflag:s0] =	ssyncadd.remote.s32 $0x1  }
0xbe: {  	_ =	sfence.sel $0xFFFF  }
0xbf: {  	[dreg:$0x0] =	wrdreg $0xFFFFFFFF;
	(pc) =	sbr.abs _section_cstart, $3  }
0xc0: {  	[dreg:$0x1] =	wrdreg $0xFFFFFFFF  }
0xc1: {  	_ =	task.clear_ibuf [dreg:s6], $0x2FFFF;
	_ =	strace $0x9FFFFFFF  }
0xc2: {  	(tm) =	ssettm $0x7FFFFFFF  }
0xc3: {  	_ =	shalt  }
tec
execute0_lowered:
.L_overlay_start_1:
0x0: {  	(tag) =	ssettag $0x1  }
0x1: {  	s5 =	rddreg [dreg:$0x0]  }
0x2: {  	s2 =	rddreg [dreg:$0x1]  }
0x3: {  	s0 =	rddreg [dreg:$0x2]  }
0x4: {  	s3 =	simm.s32 $0x0;
	s1 =	stileid.u32;
	s6 =	srdreg.scid  }
0x5: {  	s16 =	simm.s32 $0x5000;
	s17 =	simm.s32 $0x1;
	s7 =	smul.u32 $0x280, s1  }
0x6: {  	s18 =	simm.s32 $0x0;
	[smem:$0x7FF] =	sst s3;
	s8 =	smul.u32 $0x5000, s1  }
0x7: {  	s4 =	sadd.s32 $0x2EE00, s5;
	s6 =	sand.u32 $0x1, s6;
	s11 =	smul.u32 $0x50000, s1  }
0x8: {  	s9 =	sadd.s32 $0x6E00, s5;
	s12 =	sadd.s32 $0xCEE00, s5;
	s13 =	smul.u32 $0xA0000, s6  }
0x9: {  	s10 =	ssub.s32 $0x2, s6;
	s26 =	smul.u32 $0x5000, s6;
	s6 =	sshllo.u32 s6, $0x1  }
0xa: {  	s31 =	sshll.u32 s1, $0x6;
	_ =	strace $0x8000004D;
	s14 =	smul.u32 $0x2800, s6  }
0xb: {  	s25 =	sshrl.u32 s10, $0x1;
	s11 =	sshrl.u32 s11, $0x2;
	s29 =	smul.u32 $0x50000, s6  }
0xc: {  	s5 =	ssub.s32 s10, s25;
	s13 =	sadd.s32 s8, s13;
	s15 =	sadd.s32 s11, s2  }
0xd: {  	s10 =	sadd.s32 s7, s26;
	s28 =	sshrl.u32 s13, $0x3;
	s5 =	smax.u32 s5, $0x1  }
0xe: {  	s10 =	sshll.u32 s10, $0x4;
	s30 =	sadd.s32 s7, s14;
	s8 =	sadd.s32 s8, s29  }
0xf: {  	s14 =	sshrl.u32 s15, $0x3;
	s15 =	simm.s32 $0x80;
	s6 =	sadd.s32 s9, s28  }
0x10: {  	s7 =	sadd.s32 s4, s10;
	s13 =	sshrl.u32 s8, $0x3;
	s11 =	sshll.u32 s30, $0x4  }
0x11: {  	s8 =	sadd.s32 s12, s10;
	s9 =	sadd.s32 s9, s13;
	s10 =	sadd.s32 s4, s11  }
0x12: {  	s11 =	sadd.s32 s12, s11;
	s12 =	simm.s32 $0x2;
	s13 =	sor.u32 $0x1C02, s31  }
.LBB2_1:
0x13: {  	[tilespmem:s3], [sflag:$0x2] =	stream.linear.gather [hbm4b:s6+s3], $0x5000, $0x38;
	[tilespmem:$0x1D000] =	vst v63  }
0x14: {  	_ =	swait.ge [sflag:s12], $0x5000  }
0x15: {  	[sflag:s12] =	ssyncset.done $0x0  }
0x16: {  	[sflag:s12] =	ssyncadd.s32 $0xFFFFB000  }
0x17: {  	[spmem:s14], [sflag:s13] =	dma.local [hbm:s7], $0x2800  }
0x18: {  	_ =	swait.ge [sflag:s12], $0x2800  }
0x19: {  	[sflag:s12] =	ssyncset.done $0x0  }
0x1a: {  	[sflag:s12] =	ssyncadd.s32 $0xFFFFD800  }
0x1b: {  	s19 =	simm.s32 $0x0;
	[bflag:$0x0] =	sbarrier.arrive $0xFFFF  }
0x1c: {  	[tilespmem:s16], [sflag:$0x1] =	stream.indirect.gather [hbm4b:s4+s15], $0x80, s19, s15, $0xb8;
	[tilespmem:$0x1D000] =	vst v63  }
0x1d: {  	_ =	swait.ge [sflag:s17], $0x4000  }
0x1e: {  	[sflag:s17] =	ssyncset.done $0x0  }
0x1f: {  	s31 =	simm.s32 $0x2800;
	[sflag:s17] =	ssyncadd.s32 $0xFFFFC000  }
0x20: {  	[spmem:s2] =	stream.indirect.scatter.add.f32 [tilespmem:s16], [sflag:$0x2], $0x80, s31, s15, $0xb8;
	[tilespmem:$0x1D000] =	vst v63  }
0x21: {  	_ =	swait.ge [sflag:s12], $0x4000  }
0x22: {  	s20 =	simm.s32 $0x400;
	s19 =	simm.s32 $0x200;
	[sflag:s12] =	ssyncset.done $0x0  }
.LBB2_2:
0x23: {  	s21 =	sshra.s32 s19, $0x2  }
0x24: {  	[sflag:s12] =	ssyncadd.s32 $0xFFFFC000;
	s19 =	smov.u32 s20;
	s22 =	sadd.s32 $0x200, s20  }
0x25: {  	[tilespmem:s16], [sflag:$0x1] =	stream.indirect.gather [hbm4b:s4+s15], $0x80, s21, s15, $0xb8;
	[tilespmem:$0x1D000] =	vst v63  }
0x26: {  	p0 =	sne.s32 s20, $0x9E00;
	_ =	swait.ge [sflag:s17], $0x4000  }
.Ltmp0:
0x27: {  	[sflag:s17] =	ssyncset.done $0x0;
	(pc) =	sbr.rel @p0 .LBB2_2-.Ltmp0, $4  }
0x28: {  	s20 =	sadd.s32 $0x2800, s21;
	[sflag:s17] =	ssyncadd.s32 $0xFFFFC000  }
0x29: {  	[spmem:s2] =	stream.indirect.scatter.add.f32 [tilespmem:s16], [sflag:$0x2], $0x80, s20, s15, $0xb8;
	[tilespmem:$0x1D000] =	vst v63  }
0x2a: {  	_ =	swait.ge [sflag:s12], $0x4000  }
0x2b: {  	s20 =	smov.u32 s22;
	[sflag:s12] =	ssyncset.done $0x0  }
0x2c: {  	s19 =	sshra.s32 s19, $0x2;
	[sflag:s12] =	ssyncadd.s32 $0xFFFFC000  }
0x2d: {  	[tilespmem:s16], [sflag:$0x1] =	stream.indirect.gather [hbm4b:s4+s15], $0x80, s19, s15, $0xb8;
	[tilespmem:$0x1D000] =	vst v63  }
0x2e: {  	_ =	swait.ge [sflag:s17], $0x4000  }
0x2f: {  	[sflag:s17] =	ssyncset.done $0x0  }
0x30: {  	s19 =	sadd.s32 $0x2800, s19;
	[sflag:s17] =	ssyncadd.s32 $0xFFFFC000  }
0x31: {  	[spmem:s2] =	stream.indirect.scatter.add.f32 [tilespmem:s16], [sflag:$0x2], $0x80, s19, s15, $0xb8;
	[tilespmem:$0x1D000] =	vst v63  }
0x32: {  	_ =	swait.ge [sflag:s12], $0x4000  }
0x33: {  	[sflag:s12] =	ssyncset.done $0x0  }
0x34: {  	[sflag:s12] =	ssyncadd.s32 $0xFFFFC000  }
0x35: {  	[bflag:$0x0] =	sbarrier.arrive $0xFFFF  }
0x36: {  	[hbm:s8], [sflag:s13] =	dma.local [spmem:s14], $0x2800  }
0x37: {  	_ =	swait.ge [sflag:s12], $0x2800  }
0x38: {  	[sflag:s12] =	ssyncset.done $0x0  }
0x39: {  	[sflag:s12] =	ssyncadd.s32 $0xFFFFD800  }
0x3a: {  	s29 =	simm.s32 $0x0;
	[bflag:$0x0] =	sbarrier.arrive $0xFFFF  }
0x3b: {  	[tilespmem:s29], [sflag:$0x2] =	stream.linear.gather [hbm4b:s9+s29], $0x5000, $0x38;
	[tilespmem:$0x1D000] =	vst v63  }
0x3c: {  	_ =	swait.ge [sflag:s12], $0x5000  }
0x3d: {  	[sflag:s12] =	ssyncset.done $0x0  }
0x3e: {  	[sflag:s12] =	ssyncadd.s32 $0xFFFFB000  }
0x3f: {  	[spmem:s14], [sflag:s13] =	dma.local [hbm:s10], $0x2800  }
0x40: {  	_ =	swait.ge [sflag:s12], $0x2800  }
0x41: {  	[sflag:s12] =	ssyncset.done $0x0  }
0x42: {  	[sflag:s12] =	ssyncadd.s32 $0xFFFFD800  }
0x43: {  	s30 =	simm.s32 $0x0;
	[bflag:$0x0] =	sbarrier.arrive $0xFFFF  }
0x44: {  	[tilespmem:s16], [sflag:$0x1] =	stream.indirect.gather [hbm4b:s4+s15], $0x80, s30, s15, $0xb8;
	[tilespmem:$0x1D000] =	vst v63  }
0x45: {  	_ =	swait.ge [sflag:s17], $0x4000  }
0x46: {  	[sflag:s17] =	ssyncset.done $0x0  }
0x47: {  	s31 =	simm.s32 $0x2800;
	[sflag:s17] =	ssyncadd.s32 $0xFFFFC000  }
0x48: {  	[spmem:s2] =	stream.indirect.scatter.add.f32 [tilespmem:s16], [sflag:$0x2], $0x80, s31, s15, $0xb8;
	[tilespmem:$0x1D000] =	vst v63  }
0x49: {  	_ =	swait.ge [sflag:s12], $0x4000  }
0x4a: {  	s20 =	simm.s32 $0x400;
	s19 =	simm.s32 $0x200;
	[sflag:s12] =	ssyncset.done $0x0  }
.LBB2_4:
0x4b: {  	s21 =	sshra.s32 s19, $0x2  }
0x4c: {  	[sflag:s12] =	ssyncadd.s32 $0xFFFFC000;
	s19 =	smov.u32 s20;
	s22 =	sadd.s32 $0x200, s20  }
0x4d: {  	[tilespmem:s16], [sflag:$0x1] =	stream.indirect.gather [hbm4b:s4+s15], $0x80, s21, s15, $0xb8;
	[tilespmem:$0x1D000] =	vst v63  }
0x4e: {  	p0 =	sne.s32 s20, $0x9E00;
	_ =	swait.ge [sflag:s17], $0x4000  }
.Ltmp1:
0x4f: {  	[sflag:s17] =	ssyncset.done $0x0;
	(pc) =	sbr.rel @p0 .LBB2_4-.Ltmp1, $4  }
0x50: {  	s20 =	sadd.s32 $0x2800, s21;
	[sflag:s17] =	ssyncadd.s32 $0xFFFFC000  }
0x51: {  	[spmem:s2] =	stream.indirect.scatter.add.f32 [tilespmem:s16], [sflag:$0x2], $0x80, s20, s15, $0xb8;
	[tilespmem:$0x1D000] =	vst v63  }
0x52: {  	_ =	swait.ge [sflag:s12], $0x4000  }
0x53: {  	s20 =	smov.u32 s22;
	[sflag:s12] =	ssyncset.done $0x0  }
0x54: {  	s19 =	sshra.s32 s19, $0x2;
	[sflag:s12] =	ssyncadd.s32 $0xFFFFC000  }
0x55: {  	[tilespmem:s16], [sflag:$0x1] =	stream.indirect.gather [hbm4b:s4+s15], $0x80, s19, s15, $0xb8;
	[tilespmem:$0x1D000] =	vst v63  }
0x56: {  	_ =	swait.ge [sflag:s17], $0x4000  }
0x57: {  	[sflag:s17] =	ssyncset.done $0x0  }
0x58: {  	s19 =	sadd.s32 $0x2800, s19;
	[sflag:s17] =	ssyncadd.s32 $0xFFFFC000  }
0x59: {  	[spmem:s2] =	stream.indirect.scatter.add.f32 [tilespmem:s16], [sflag:$0x2], $0x80, s19, s15, $0xb8;
	[tilespmem:$0x1D000] =	vst v63  }
0x5a: {  	_ =	swait.ge [sflag:s12], $0x4000  }
0x5b: {  	[sflag:s12] =	ssyncset.done $0x0  }
0x5c: {  	s18 =	sadd.s32 $0x1, s18;
	[sflag:s12] =	ssyncadd.s32 $0xFFFFC000  }
0x5d: {  	p0 =	sne.s32 s18, s5;
	[bflag:$0x0] =	sbarrier.arrive $0xFFFF  }
0x5e: {  	[hbm:s11], [sflag:s13] =	dma.local [spmem:s14], $0x2800  }
.Ltmp2:
0x5f: {  	_ =	swait.ge [sflag:s12], $0x2800;
	(pc) =	sbr.rel @p0 .LBB2_1-.Ltmp2, $3  }
0x60: {  	[sflag:s12] =	ssyncset.done $0x0  }
0x61: {  	[sflag:s12] =	ssyncadd.s32 $0xFFFFD800  }
0x62: {  	[bflag:$0x0] =	sbarrier.arrive $0xFFFF;
	_ =	sdelay $0x1  }
0x63: {  	_ =	sfence.sel $0x180000  }
0x64: {  	[bflag:$0x0] =	sbarrier.arrive $0xFFFF  }
0x65: {  	p0 =	sne.s32 s1, $0x0;
	_ =	strace $0x9000004D  }
0x66: {  	s0 =	sadd.s32 @!p0 $0x100000, s0;
	[bflag:$0x2] =	sbarrier.arrive $0xFFFF  }
0x67: {  	[sflag:s0] =	ssyncadd.tile.s32 @!p0 $0x1;
	_ =	shalt  }
.Lfunc_end2:
_tile_overlayer_lowered:
.L_overlay_start_2:
0x68: {  	(tag) =	ssettag $0x2  }
0x69: {  	s0 =	rddreg [dreg:$0x0];
	s2 =	stileid.u32  }
0x6a: {  	s1 =	rddreg [dreg:$0x1];
	p0 =	sne.s32 s2, $0x0  }
0x6b: {  	s3 =	rddreg [dreg:$0x2];
	[bflag:$0x3] =	sbarrier.arrive $0xFFFF;
	s2 =	simm.s32 @!p0 $0x1C02  }
0x6c: {  	[timem:s3], [sflag:s2] =	dma.local @!p0 [hbm:s0], s1  }
0x6d: {  	s0 =	simm.s32 @!p0 $0x2  }
0x6e: {  	_ =	swait.ge @!p0 [sflag:s0], s1  }
0x6f: {  	s1 =	ssub.s32 @!p0 $0x0, s1;
	[sflag:s0] =	ssyncset.done @!p0 $0x0  }
0x70: {  	[sflag:s0] =	ssyncadd.s32 @!p0 s1  }
0x71: {  	[bflag:$0x3] =	sbarrier.arrive $0xFFFF  }
0x72: {  	_ =	shalt  }

</sc_bundles>
